<compile_context>
chip_gen: v7x
topology: tpu7x:2x2x1
jax: 0.10.2.dev20260603
libtpu: 0.0.44.dev20260713+nightly
codegen_flags: <defaults>
</compile_context>

<pallas_src>
import jax
import jax.numpy as jnp
import numpy as np
from jax import lax
from jax.experimental import pallas as pl
from jax.experimental.pallas import tpu as pltpu
from jax.experimental.pallas import tpu_sc as plsc

_B = 128
_V = 100000
_NC = 2
_TPW = 16
_NWORK = _B // _TPW
_I0 = np.int32(0)


def _tval_body(logits_hbm, tgt_hbm, out_hbm, tgt_v, win_v, grp_v, sem):
    wid = lax.axis_index("s") * _NC + lax.axis_index("c")

    @pl.when(wid < _NWORK)
    def _():
        base = wid * _TPW
        pltpu.sync_copy(tgt_hbm.at[pl.ds(base, _TPW)], tgt_v)
        tvec = tgt_v[...]
        copies = []
        for i in range(_TPW):
            t = lax.squeeze(lax.slice(tvec, (i,), (i + 1,)), (0,))
            w = pl.multiple_of(((t >> 7) << 7).astype(jnp.int32), 128)
            r8 = pl.multiple_of(base + (i & ~7), 8)
            copies.append(pltpu.async_copy(
                logits_hbm.at[pl.ds(r8, 8), pl.ds(w, 128)],
                win_v.at[pl.ds(np.int32(8 * i), 8)], sem))
        for c in copies:
            c.wait()
        for i in range(_TPW):
            t = lax.squeeze(lax.slice(tvec, (i,), (i + 1,)), (0,))
            g = pl.multiple_of((((t & 127) >> 4) << 4).astype(jnp.int32), 16)
            grp_v[...] = win_v[np.int32(8 * i + (i & 7)), pl.ds(g, 16)]
            pltpu.sync_copy(
                grp_v, out_hbm.at[pl.ds((base + i) * 16, 16)])


def _gather_tvals(logits, tgt32):
    mesh = plsc.VectorSubcoreMesh(core_axis_name="c", subcore_axis_name="s")
    f = pl.kernel(
        _tval_body,
        out_type=jax.ShapeDtypeStruct((_B * 16,), jnp.float32),
        mesh=mesh,
        scratch_types=[
            pltpu.VMEM((_TPW,), jnp.int32),
            pltpu.VMEM((_TPW * 8, 128), jnp.float32),
            pltpu.VMEM((16,), jnp.float32),
            pltpu.SemaphoreType.DMA,
        ],
    )
    return f(logits, tgt32)


_RB = 16
_NBUF = 3


def _count_body(grp_ref, tgt_ref, logits_hbm, acc1_ref, acc5_ref, buf, sems):
    c = pl.program_id(0)
    n = pl.num_programs(0)

    def issue(step, slot):
        pltpu.make_async_copy(
            logits_hbm.at[pl.ds(step * _RB, _RB), :],
            buf.at[slot], sems.at[slot]).start()

    @pl.when(c == 0)
    def _init():
        acc1_ref[...] = jnp.zeros_like(acc1_ref)
        acc5_ref[...] = jnp.zeros_like(acc5_ref)
        for d in range(_NBUF - 1):
            issue(np.int32(d), np.int32(d))

    nxt = c + _NBUF - 1

    @pl.when(nxt < n)
    def _prefetch():
        issue(nxt, nxt % _NBUF)

    slot = c % _NBUF
    pltpu.make_async_copy(
        logits_hbm.at[pl.ds(c * _RB, _RB), :],
        buf.at[slot], sems.at[slot]).wait()

    v = buf[slot]
    tgt = tgt_ref[...]
    sub = lax.broadcasted_iota(jnp.int32, grp_ref.shape, 1) == (tgt & 15)
    t = jnp.sum(jnp.where(sub, grp_ref[...], 0.0), axis=1, keepdims=True)
    j = lax.broadcasted_iota(jnp.int32, v.shape, 1)
    beat = (v > t) | ((v == t) & (j < tgt))
    cnt = jnp.sum(beat.astype(jnp.float32), axis=1, keepdims=True)
    scale = 100.0 / _B
    acc1_ref[...] += jnp.sum((cnt < 1.0).astype(jnp.float32), axis=0,
                             keepdims=True) * scale
    acc5_ref[...] += jnp.sum((cnt < 5.0).astype(jnp.float32), axis=0,
                             keepdims=True) * scale


def _count(logits, tgroups, tgt):
    return pl.pallas_call(
        _count_body,
        grid=(_B // _RB,),
        in_specs=[
            pl.BlockSpec((_RB, 16), lambda c: (c, _I0)),
            pl.BlockSpec((_RB, 1), lambda c: (c, _I0)),
            pl.BlockSpec(memory_space=pltpu.HBM),
        ],
        out_specs=[
            pl.BlockSpec((1, 1), lambda c: (_I0, _I0)),
            pl.BlockSpec((1, 1), lambda c: (_I0, _I0)),
        ],
        out_shape=[jax.ShapeDtypeStruct((1, 1), jnp.float32)] * 2,
        scratch_shapes=[
            pltpu.VMEM((_NBUF, _RB, _V), jnp.float32),
            pltpu.SemaphoreType.DMA((_NBUF,)),
        ],
        compiler_params=pltpu.CompilerParams(
            vmem_limit_bytes=100 * 1024 * 1024),
    )(tgroups, tgt, logits)


def kernel(logits, targets):
    tgt32 = targets.astype(jnp.int32)
    tgroups = _gather_tvals(logits, tgt32).reshape(_B, 16)
    a1, a5 = _count(logits, tgroups, tgt32.reshape(_B, 1))
    return (a1.reshape(1), a5.reshape(1))

# --- scband reference (transcript-rebuilt; emitter-appended) ---
"""Pipeline reference for scband-top-kclassification-accuracy-69758858821947 (READ-ONLY COPY).

The authoritative reference and input builder live on the scoring server;
editing this copy changes nothing except your own understanding.
"""

import jax, jax.numpy as jnp
import numpy as np

jax.config.update("jax_enable_x64", True)

K_LIST = (1, 5)
BATCH = 128
VOCAB = 100000


def setup_inputs(seed: int = 0) -> dict:
    key = jax.random.key(seed)
    k1, k2 = jax.random.split(key)
    logits = jax.random.normal(k1, (BATCH, VOCAB), dtype=jnp.float32)
    targets = jax.random.randint(k2, (BATCH,), 0, VOCAB, dtype=jnp.int64)
    return {"logits": logits, "targets": targets}


def reference(logits, targets):
    maxk = max(K_LIST)
    batch_size = targets.shape[0]
    # torch: _, pred = logits.topk(maxk, 1, True, True)  (sorted, largest)
    _, pred = jax.lax.top_k(logits, maxk)  # [B, maxk], sorted descending
    pred = pred.T  # [maxk, B]
    correct = pred == jnp.broadcast_to(targets.reshape(1, -1), pred.shape)
    res = []
    for k in K_LIST:
        correct_k = correct[:k].reshape(-1).astype(jnp.float32).sum(keepdims=True)
        res.append(correct_k * (100.0 / batch_size))
    return res[0] if len(res) == 1 else tuple(res)

if __name__ == "__main__":
    import jax
    _d = setup_inputs()
    print(jax.jit(kernel)(*tuple(_d.values())))

</pallas_src>

<mosaic_0001>
#map = affine_map<(d0, d1) -> (0, 0)>
#map1 = affine_map<(d0, d1) -> (0)>
module attributes {stable_mosaic.version = 14 : i64} {
  func.func @_tval_body(%arg0: i32, %arg1: i32, %arg2: memref<128x100000xf32, #tpu.memory_space<hbm>>, %arg3: memref<128xi32, #tpu.memory_space<hbm>>, %arg4: memref<2048xf32, #tpu.memory_space<hbm>>, %arg5: memref<16xi32, #tpu.memory_space<vmem>>, %arg6: memref<128x128xf32, #tpu.memory_space<vmem>>, %arg7: memref<16xf32, #tpu.memory_space<vmem>>, %arg8: memref<!tpu.dma_semaphore, #tpu.memory_space<semaphore_mem>>) attributes {dimension_semantics = [#tpu.dimension_semantics<core_parallel>, #tpu.dimension_semantics<subcore_parallel>], iteration_bounds = array<i64: 2, 16>, scalar_prefetch = 0 : i64, scratch_operands = 4 : i64, tpu.core_type = #tpu.core_type<sc_vector_subcore>, window_params = [{transform_indices = #map}, {transform_indices = #map1}, {transform_indices = #map1}]} {
    %mul3A = arith.constant 2 : i32
    %mul3A_0 = arith.muli %arg1, %mul3A : i32
    %add3A = arith.addi %mul3A_0, %arg0 : i32
    %lt3A = arith.constant 8 : i32
    %lt3A_1 = arith.cmpi slt, %add3A, %lt3A : i32
    %convert_element_type3A = arith.extui %lt3A_1 : i1 to i32
    %cond3A = arith.constant 0 : i32
    %cond3A_2 = arith.cmpi ne, %convert_element_type3A, %cond3A : i32
    scf.if %cond3A_2 {
      %mul3A_3 = arith.constant 16 : i32
      %mul3A_4 = arith.muli %add3A, %mul3A_3 : i32
      "tpu.region"() ({
        %run_scoped3A = tpu.sem_alloc : memref<!tpu.dma_semaphore, #tpu.memory_space<semaphore_mem>>
        %dma_start3A_766 = tpu.memref_slice %arg3[%mul3A_4] : memref<128xi32, #tpu.memory_space<hbm>> -> memref<16xi32, #tpu.memory_space<hbm>>
        %dma_start3A_767 = tpu.memref_slice %arg3[%mul3A_4] : memref<128xi32, #tpu.memory_space<hbm>> -> memref<16xi32, #tpu.memory_space<hbm>>
        tpu.enqueue_dma source(%dma_start3A_767 : memref<16xi32, #tpu.memory_space<hbm>>) target(%arg5 : memref<16xi32, #tpu.memory_space<vmem>>) target_semaphore(%run_scoped3A : memref<!tpu.dma_semaphore, #tpu.memory_space<semaphore_mem>>)
        %dma_wait3A_768 = tpu.memref_slice %arg3[%mul3A_4] : memref<128xi32, #tpu.memory_space<hbm>> -> memref<16xi32, #tpu.memory_space<hbm>>
        %dma_wait3A_769 = tpu.memref_slice %arg3[%mul3A_4] : memref<128xi32, #tpu.memory_space<hbm>> -> memref<16xi32, #tpu.memory_space<hbm>>
        tpu.wait_dma2 semaphore(%run_scoped3A : memref<!tpu.dma_semaphore, #tpu.memory_space<semaphore_mem>>) src(%dma_wait3A_769 : memref<16xi32, #tpu.memory_space<hbm>>) dst(%arg5 : memref<16xi32, #tpu.memory_space<vmem>>)
        tpu.yield
      }) : () -> ()
      %get3A = arith.constant 0 : index
      %get3A_5 = tpu.vector_load %arg5[%get3A] {strides = array<i32>} : memref<16xi32, #tpu.memory_space<vmem>>, vector<16xi32>,
      %get3A_6 = vector.shape_cast %get3A_5 : vector<16xi32> to vector<16xi32>
      %slice3A = vector.extract_strided_slice %get3A_6 {offsets = [0], sizes = [1], strides = [1]} : vector<16xi32> to vector<1xi32>
      %squeeze3A = vector.extract %slice3A[0] : i32 from vector<1xi32>
      %shift_right_arithmetic3A = arith.constant 7 : i32
      %shift_right_arithmetic3A_7 = arith.shrsi %squeeze3A, %shift_right_arithmetic3A : i32
      %shift_left3A = arith.constant 7 : i32
      %shift_left3A_8 = arith.shli %shift_right_arithmetic3A_7, %shift_left3A : i32
      %multiple_of3A = tpu.assume_multiple %shift_left3A_8, 128 : i32
      %add3A_9 = arith.constant 0 : i32
      %add3A_10 = arith.addi %mul3A_4, %add3A_9 : i32
      %multiple_of3A_11 = tpu.assume_multiple %add3A_10, 8 : i32
      %dma_start3A = arith.constant 0 : i32
      %dma_start3A_12 = arith.constant 0 : i32
      %dma_start3A_13 = tpu.memref_slice %arg6[%dma_start3A, %dma_start3A_12] : memref<128x128xf32, #tpu.memory_space<vmem>> -> memref<8x128xf32, #tpu.memory_space<vmem>>
      %dma_start3A_14 = tpu.memref_slice %arg2[%multiple_of3A_11, %multiple_of3A] : memref<128x100000xf32, #tpu.memory_space<hbm>> -> memref<8x128xf32, #tpu.memory_space<hbm>>
      %dma_start3A_15 = arith.constant 0 : i32
      %dma_start3A_16 = arith.constant 0 : i32
      %dma_start3A_17 = tpu.memref_slice %arg6[%dma_start3A_15, %dma_start3A_16] : memref<128x128xf32, #tpu.memory_space<vmem>> -> memref<8x128xf32, #tpu.memory_space<vmem>>
      %dma_start3A_18 = tpu.memref_slice %arg2[%multiple_of3A_11, %multiple_of3A] : memref<128x100000xf32, #tpu.memory_space<hbm>> -> memref<8x128xf32, #tpu.memory_space<hbm>>
      tpu.enqueue_dma source(%dma_start3A_18 : memref<8x128xf32, #tpu.memory_space<hbm>>) target(%dma_start3A_17 : memref<8x128xf32, #tpu.memory_space<vmem>>) target_semaphore(%arg8 : memref<!tpu.dma_semaphore, #tpu.memory_space<semaphore_mem>>)
      %slice3A_19 = vector.extract_strided_slice %get3A_6 {offsets = [1], sizes = [1], strides = [1]} : vector<16xi32> to vector<1xi32>
      %squeeze3A_20 = vector.extract %slice3A_19[0] : i32 from vector<1xi32>
      %shift_right_arithmetic3A_21 = arith.constant 7 : i32
      %shift_right_arithmetic3A_22 = arith.shrsi %squeeze3A_20, %shift_right_arithmetic3A_21 : i32
      %shift_left3A_23 = arith.constant 7 : i32
      %shift_left3A_24 = arith.shli %shift_right_arithmetic3A_22, %shift_left3A_23 : i32
      %multiple_of3A_25 = tpu.assume_multiple %shift_left3A_24, 128 : i32
      %add3A_26 = arith.constant 0 : i32
      %add3A_27 = arith.addi %mul3A_4, %add3A_26 : i32
      %multiple_of3A_28 = tpu.assume_multiple %add3A_27, 8 : i32
      %dma_start3A_29 = arith.constant 8 : i32
      %dma_start3A_30 = arith.constant 0 : i32
      %dma_start3A_31 = tpu.memref_slice %arg6[%dma_start3A_29, %dma_start3A_30] : memref<128x128xf32, #tpu.memory_space<vmem>> -> memref<8x128xf32, #tpu.memory_space<vmem>>
      %dma_start3A_32 = tpu.memref_slice %arg2[%multiple_of3A_28, %multiple_of3A_25] : memref<128x100000xf32, #tpu.memory_space<hbm>> -> memref<8x128xf32, #tpu.memory_space<hbm>>
      %dma_start3A_33 = arith.constant 8 : i32
      %dma_start3A_34 = arith.constant 0 : i32
      %dma_start3A_35 = tpu.memref_slice %arg6[%dma_start3A_33, %dma_start3A_34] : memref<128x128xf32, #tpu.memory_space<vmem>> -> memref<8x128xf32, #tpu.memory_space<vmem>>
      %dma_start3A_36 = tpu.memref_slice %arg2[%multiple_of3A_28, %multiple_of3A_25] : memref<128x100000xf32, #tpu.memory_space<hbm>> -> memref<8x128xf32, #tpu.memory_space<hbm>>
      tpu.enqueue_dma source(%dma_start3A_36 : memref<8x128xf32, #tpu.memory_space<hbm>>) target(%dma_start3A_35 : memref<8x128xf32, #tpu.memory_space<vmem>>) target_semaphore(%arg8 : memref<!tpu.dma_semaphore, #tpu.memory_space<semaphore_mem>>)
      %slice3A_37 = vector.extract_strided_slice %get3A_6 {offsets = [2], sizes = [1], strides = [1]} : vector<16xi32> to vector<1xi32>
      %squeeze3A_38 = vector.extract %slice3A_37[0] : i32 from vector<1xi32>
      %shift_right_arithmetic3A_39 = arith.constant 7 : i32
      %shift_right_arithmetic3A_40 = arith.shrsi %squeeze3A_38, %shift_right_arithmetic3A_39 : i32
      %shift_left3A_41 = arith.constant 7 : i32
      %shift_left3A_42 = arith.shli %shift_right_arithmetic3A_40, %shift_left3A_41 : i32
      %multiple_of3A_43 = tpu.assume_multiple %shift_left3A_42, 128 : i32
      %add3A_44 = arith.constant 0 : i32
      %add3A_45 = arith.addi %mul3A_4, %add3A_44 : i32
      %multiple_of3A_46 = tpu.assume_multiple %add3A_45, 8 : i32
      %dma_start3A_47 = arith.constant 16 : i32
      %dma_start3A_48 = arith.constant 0 : i32
      %dma_start3A_49 = tpu.memref_slice %arg6[%dma_start3A_47, %dma_start3A_48] : memref<128x128xf32, #tpu.memory_space<vmem>> -> memref<8x128xf32, #tpu.memory_space<vmem>>
      %dma_start3A_50 = tpu.memref_slice %arg2[%multiple_of3A_46, %multiple_of3A_43] : memref<128x100000xf32, #tpu.memory_space<hbm>> -> memref<8x128xf32, #tpu.memory_space<hbm>>
      %dma_start3A_51 = arith.constant 16 : i32
      %dma_start3A_52 = arith.constant 0 : i32
      %dma_start3A_53 = tpu.memref_slice %arg6[%dma_start3A_51, %dma_start3A_52] : memref<128x128xf32, #tpu.memory_space<vmem>> -> memref<8x128xf32, #tpu.memory_space<vmem>>
      %dma_start3A_54 = tpu.memref_slice %arg2[%multiple_of3A_46, %multiple_of3A_43] : memref<128x100000xf32, #tpu.memory_space<hbm>> -> memref<8x128xf32, #tpu.memory_space<hbm>>
      tpu.enqueue_dma source(%dma_start3A_54 : memref<8x128xf32, #tpu.memory_space<hbm>>) target(%dma_start3A_53 : memref<8x128xf32, #tpu.memory_space<vmem>>) target_semaphore(%arg8 : memref<!tpu.dma_semaphore, #tpu.memory_space<semaphore_mem>>)
      %slice3A_55 = vector.extract_strided_slice %get3A_6 {offsets = [3], sizes = [1], strides = [1]} : vector<16xi32> to vector<1xi32>
      %squeeze3A_56 = vector.extract %slice3A_55[0] : i32 from vector<1xi32>
      %shift_right_arithmetic3A_57 = arith.constant 7 : i32
      %shift_right_arithmetic3A_58 = arith.shrsi %squeeze3A_56, %shift_right_arithmetic3A_57 : i32
      %shift_left3A_59 = arith.constant 7 : i32
      %shift_left3A_60 = arith.shli %shift_right_arithmetic3A_58, %shift_left3A_59 : i32
      %multiple_of3A_61 = tpu.assume_multiple %shift_left3A_60, 128 : i32
      %add3A_62 = arith.constant 0 : i32
      %add3A_63 = arith.addi %mul3A_4, %add3A_62 : i32
      %multiple_of3A_64 = tpu.assume_multiple %add3A_63, 8 : i32
      %dma_start3A_65 = arith.constant 24 : i32
      %dma_start3A_66 = arith.constant 0 : i32
      %dma_start3A_67 = tpu.memref_slice %arg6[%dma_start3A_65, %dma_start3A_66] : memref<128x128xf32, #tpu.memory_space<vmem>> -> memref<8x128xf32, #tpu.memory_space<vmem>>
      %dma_start3A_68 = tpu.memref_slice %arg2[%multiple_of3A_64, %multiple_of3A_61] : memref<128x100000xf32, #tpu.memory_space<hbm>> -> memref<8x128xf32, #tpu.memory_space<hbm>>
      %dma_start3A_69 = arith.constant 24 : i32
      %dma_start3A_70 = arith.constant 0 : i32
      %dma_start3A_71 = tpu.memref_slice %arg6[%dma_start3A_69, %dma_start3A_70] : memref<128x128xf32, #tpu.memory_space<vmem>> -> memref<8x128xf32, #tpu.memory_space<vmem>>
      %dma_start3A_72 = tpu.memref_slice %arg2[%multiple_of3A_64, %multiple_of3A_61] : memref<128x100000xf32, #tpu.memory_space<hbm>> -> memref<8x128xf32, #tpu.memory_space<hbm>>
      tpu.enqueue_dma source(%dma_start3A_72 : memref<8x128xf32, #tpu.memory_space<hbm>>) target(%dma_start3A_71 : memref<8x128xf32, #tpu.memory_space<vmem>>) target_semaphore(%arg8 : memref<!tpu.dma_semaphore, #tpu.memory_space<semaphore_mem>>)
      %slice3A_73 = vector.extract_strided_slice %get3A_6 {offsets = [4], sizes = [1], strides = [1]} : vector<16xi32> to vector<1xi32>
      %squeeze3A_74 = vector.extract %slice3A_73[0] : i32 from vector<1xi32>
      %shift_right_arithmetic3A_75 = arith.constant 7 : i32
      %shift_right_arithmetic3A_76 = arith.shrsi %squeeze3A_74, %shift_right_arithmetic3A_75 : i32
      %shift_left3A_77 = arith.constant 7 : i32
      %shift_left3A_78 = arith.shli %shift_right_arithmetic3A_76, %shift_left3A_77 : i32
      %multiple_of3A_79 = tpu.assume_multiple %shift_left3A_78, 128 : i32
      %add3A_80 = arith.constant 0 : i32
      %add3A_81 = arith.addi %mul3A_4, %add3A_80 : i32
      %multiple_of3A_82 = tpu.assume_multiple %add3A_81, 8 : i32
      %dma_start3A_83 = arith.constant 32 : i32
      %dma_start3A_84 = arith.constant 0 : i32
      %dma_start3A_85 = tpu.memref_slice %arg6[%dma_start3A_83, %dma_start3A_84] : memref<128x128xf32, #tpu.memory_space<vmem>> -> memref<8x128xf32, #tpu.memory_space<vmem>>
      %dma_start3A_86 = tpu.memref_slice %arg2[%multiple_of3A_82, %multiple_of3A_79] : memref<128x100000xf32, #tpu.memory_space<hbm>> -> memref<8x128xf32, #tpu.memory_space<hbm>>
      %dma_start3A_87 = arith.constant 32 : i32
      %dma_start3A_88 = arith.constant 0 : i32
      %dma_start3A_89 = tpu.memref_slice %arg6[%dma_start3A_87, %dma_start3A_88] : memref<128x128xf32, #tpu.memory_space<vmem>> -> memref<8x128xf32, #tpu.memory_space<vmem>>
      %dma_start3A_90 = tpu.memref_slice %arg2[%multiple_of3A_82, %multiple_of3A_79] : memref<128x100000xf32, #tpu.memory_space<hbm>> -> memref<8x128xf32, #tpu.memory_space<hbm>>
      tpu.enqueue_dma source(%dma_start3A_90 : memref<8x128xf32, #tpu.memory_space<hbm>>) target(%dma_start3A_89 : memref<8x128xf32, #tpu.memory_space<vmem>>) target_semaphore(%arg8 : memref<!tpu.dma_semaphore, #tpu.memory_space<semaphore_mem>>)
      %slice3A_91 = vector.extract_strided_slice %get3A_6 {offsets = [5], sizes = [1], strides = [1]} : vector<16xi32> to vector<1xi32>
      %squeeze3A_92 = vector.extract %slice3A_91[0] : i32 from vector<1xi32>
      %shift_right_arithmetic3A_93 = arith.constant 7 : i32
      %shift_right_arithmetic3A_94 = arith.shrsi %squeeze3A_92, %shift_right_arithmetic3A_93 : i32
      %shift_left3A_95 = arith.constant 7 : i32
      %shift_left3A_96 = arith.shli %shift_right_arithmetic3A_94, %shift_left3A_95 : i32
      %multiple_of3A_97 = tpu.assume_multiple %shift_left3A_96, 128 : i32
      %add3A_98 = arith.constant 0 : i32
      %add3A_99 = arith.addi %mul3A_4, %add3A_98 : i32
      %multiple_of3A_100 = tpu.assume_multiple %add3A_99, 8 : i32
      %dma_start3A_101 = arith.constant 40 : i32
      %dma_start3A_102 = arith.constant 0 : i32
      %dma_start3A_103 = tpu.memref_slice %arg6[%dma_start3A_101, %dma_start3A_102] : memref<128x128xf32, #tpu.memory_space<vmem>> -> memref<8x128xf32, #tpu.memory_space<vmem>>
      %dma_start3A_104 = tpu.memref_slice %arg2[%multiple_of3A_100, %multiple_of3A_97] : memref<128x100000xf32, #tpu.memory_space<hbm>> -> memref<8x128xf32, #tpu.memory_space<hbm>>
      %dma_start3A_105 = arith.constant 40 : i32
      %dma_start3A_106 = arith.constant 0 : i32
      %dma_start3A_107 = tpu.memref_slice %arg6[%dma_start3A_105, %dma_start3A_106] : memref<128x128xf32, #tpu.memory_space<vmem>> -> memref<8x128xf32, #tpu.memory_space<vmem>>
      %dma_start3A_108 = tpu.memref_slice %arg2[%multiple_of3A_100, %multiple_of3A_97] : memref<128x100000xf32, #tpu.memory_space<hbm>> -> memref<8x128xf32, #tpu.memory_space<hbm>>
      tpu.enqueue_dma source(%dma_start3A_108 : memref<8x128xf32, #tpu.memory_space<hbm>>) target(%dma_start3A_107 : memref<8x128xf32, #tpu.memory_space<vmem>>) target_semaphore(%arg8 : memref<!tpu.dma_semaphore, #tpu.memory_space<semaphore_mem>>)
      %slice3A_109 = vector.extract_strided_slice %get3A_6 {offsets = [6], sizes = [1], strides = [1]} : vector<16xi32> to vector<1xi32>
      %squeeze3A_110 = vector.extract %slice3A_109[0] : i32 from vector<1xi32>
      %shift_right_arithmetic3A_111 = arith.constant 7 : i32
      %shift_right_arithmetic3A_112 = arith.shrsi %squeeze3A_110, %shift_right_arithmetic3A_111 : i32
      %shift_left3A_113 = arith.constant 7 : i32
      %shift_left3A_114 = arith.shli %shift_right_arithmetic3A_112, %shift_left3A_113 : i32
      %multiple_of3A_115 = tpu.assume_multiple %shift_left3A_114, 128 : i32
      %add3A_116 = arith.constant 0 : i32
      %add3A_117 = arith.addi %mul3A_4, %add3A_116 : i32
      %multiple_of3A_118 = tpu.assume_multiple %add3A_117, 8 : i32
      %dma_start3A_119 = arith.constant 48 : i32
      %dma_start3A_120 = arith.constant 0 : i32
      %dma_start3A_121 = tpu.memref_slice %arg6[%dma_start3A_119, %dma_start3A_120] : memref<128x128xf32, #tpu.memory_space<vmem>> -> memref<8x128xf32, #tpu.memory_space<vmem>>
      %dma_start3A_122 = tpu.memref_slice %arg2[%multiple_of3A_118, %multiple_of3A_115] : memref<128x100000xf32, #tpu.memory_space<hbm>> -> memref<8x128xf32, #tpu.memory_space<hbm>>
      %dma_start3A_123 = arith.constant 48 : i32
      %dma_start3A_124 = arith.constant 0 : i32
      %dma_start3A_125 = tpu.memref_slice %arg6[%dma_start3A_123, %dma_start3A_124] : memref<128x128xf32, #tpu.memory_space<vmem>> -> memref<8x128xf32, #tpu.memory_space<vmem>>
      %dma_start3A_126 = tpu.memref_slice %arg2[%multiple_of3A_118, %multiple_of3A_115] : memref<128x100000xf32, #tpu.memory_space<hbm>> -> memref<8x128xf32, #tpu.memory_space<hbm>>
      tpu.enqueue_dma source(%dma_start3A_126 : memref<8x128xf32, #tpu.memory_space<hbm>>) target(%dma_start3A_125 : memref<8x128xf32, #tpu.memory_space<vmem>>) target_semaphore(%arg8 : memref<!tpu.dma_semaphore, #tpu.memory_space<semaphore_mem>>)
      %slice3A_127 = vector.extract_strided_slice %get3A_6 {offsets = [7], sizes = [1], strides = [1]} : vector<16xi32> to vector<1xi32>
      %squeeze3A_128 = vector.extract %slice3A_127[0] : i32 from vector<1xi32>
      %shift_right_arithmetic3A_129 = arith.constant 7 : i32
      %shift_right_arithmetic3A_130 = arith.shrsi %squeeze3A_128, %shift_right_arithmetic3A_129 : i32
      %shift_left3A_131 = arith.constant 7 : i32
      %shift_left3A_132 = arith.shli %shift_right_arithmetic3A_130, %shift_left3A_131 : i32
      %multiple_of3A_133 = tpu.assume_multiple %shift_left3A_132, 128 : i32
      %add3A_134 = arith.constant 0 : i32
      %add3A_135 = arith.addi %mul3A_4, %add3A_134 : i32
      %multiple_of3A_136 = tpu.assume_multiple %add3A_135, 8 : i32
      %dma_start3A_137 = arith.constant 56 : i32
      %dma_start3A_138 = arith.constant 0 : i32
      %dma_start3A_139 = tpu.memref_slice %arg6[%dma_start3A_137, %dma_start3A_138] : memref<128x128xf32, #tpu.memory_space<vmem>> -> memref<8x128xf32, #tpu.memory_space<vmem>>
      %dma_start3A_140 = tpu.memref_slice %arg2[%multiple_of3A_136, %multiple_of3A_133] : memref<128x100000xf32, #tpu.memory_space<hbm>> -> memref<8x128xf32, #tpu.memory_space<hbm>>
      %dma_start3A_141 = arith.constant 56 : i32
      %dma_start3A_142 = arith.constant 0 : i32
      %dma_start3A_143 = tpu.memref_slice %arg6[%dma_start3A_141, %dma_start3A_142] : memref<128x128xf32, #tpu.memory_space<vmem>> -> memref<8x128xf32, #tpu.memory_space<vmem>>
      %dma_start3A_144 = tpu.memref_slice %arg2[%multiple_of3A_136, %multiple_of3A_133] : memref<128x100000xf32, #tpu.memory_space<hbm>> -> memref<8x128xf32, #tpu.memory_space<hbm>>
      tpu.enqueue_dma source(%dma_start3A_144 : memref<8x128xf32, #tpu.memory_space<hbm>>) target(%dma_start3A_143 : memref<8x128xf32, #tpu.memory_space<vmem>>) target_semaphore(%arg8 : memref<!tpu.dma_semaphore, #tpu.memory_space<semaphore_mem>>)
      %slice3A_145 = vector.extract_strided_slice %get3A_6 {offsets = [8], sizes = [1], strides = [1]} : vector<16xi32> to vector<1xi32>
      %squeeze3A_146 = vector.extract %slice3A_145[0] : i32 from vector<1xi32>
      %shift_right_arithmetic3A_147 = arith.constant 7 : i32
      %shift_right_arithmetic3A_148 = arith.shrsi %squeeze3A_146, %shift_right_arithmetic3A_147 : i32
      %shift_left3A_149 = arith.constant 7 : i32
      %shift_left3A_150 = arith.shli %shift_right_arithmetic3A_148, %shift_left3A_149 : i32
      %multiple_of3A_151 = tpu.assume_multiple %shift_left3A_150, 128 : i32
      %add3A_152 = arith.constant 8 : i32
      %add3A_153 = arith.addi %mul3A_4, %add3A_152 : i32
      %multiple_of3A_154 = tpu.assume_multiple %add3A_153, 8 : i32
      %dma_start3A_155 = arith.constant 64 : i32
      %dma_start3A_156 = arith.constant 0 : i32
      %dma_start3A_157 = tpu.memref_slice %arg6[%dma_start3A_155, %dma_start3A_156] : memref<128x128xf32, #tpu.memory_space<vmem>> -> memref<8x128xf32, #tpu.memory_space<vmem>>
      %dma_start3A_158 = tpu.memref_slice %arg2[%multiple_of3A_154, %multiple_of3A_151] : memref<128x100000xf32, #tpu.memory_space<hbm>> -> memref<8x128xf32, #tpu.memory_space<hbm>>
      %dma_start3A_159 = arith.constant 64 : i32
      %dma_start3A_160 = arith.constant 0 : i32
      %dma_start3A_161 = tpu.memref_slice %arg6[%dma_start3A_159, %dma_start3A_160] : memref<128x128xf32, #tpu.memory_space<vmem>> -> memref<8x128xf32, #tpu.memory_space<vmem>>
      %dma_start3A_162 = tpu.memref_slice %arg2[%multiple_of3A_154, %multiple_of3A_151] : memref<128x100000xf32, #tpu.memory_space<hbm>> -> memref<8x128xf32, #tpu.memory_space<hbm>>
      tpu.enqueue_dma source(%dma_start3A_162 : memref<8x128xf32, #tpu.memory_space<hbm>>) target(%dma_start3A_161 : memref<8x128xf32, #tpu.memory_space<vmem>>) target_semaphore(%arg8 : memref<!tpu.dma_semaphore, #tpu.memory_space<semaphore_mem>>)
      %slice3A_163 = vector.extract_strided_slice %get3A_6 {offsets = [9], sizes = [1], strides = [1]} : vector<16xi32> to vector<1xi32>
      %squeeze3A_164 = vector.extract %slice3A_163[0] : i32 from vector<1xi32>
      %shift_right_arithmetic3A_165 = arith.constant 7 : i32
      %shift_right_arithmetic3A_166 = arith.shrsi %squeeze3A_164, %shift_right_arithmetic3A_165 : i32
      %shift_left3A_167 = arith.constant 7 : i32
      %shift_left3A_168 = arith.shli %shift_right_arithmetic3A_166, %shift_left3A_167 : i32
      %multiple_of3A_169 = tpu.assume_multiple %shift_left3A_168, 128 : i32
      %add3A_170 = arith.constant 8 : i32
      %add3A_171 = arith.addi %mul3A_4, %add3A_170 : i32
      %multiple_of3A_172 = tpu.assume_multiple %add3A_171, 8 : i32
      %dma_start3A_173 = arith.constant 72 : i32
      %dma_start3A_174 = arith.constant 0 : i32
      %dma_start3A_175 = tpu.memref_slice %arg6[%dma_start3A_173, %dma_start3A_174] : memref<128x128xf32, #tpu.memory_space<vmem>> -> memref<8x128xf32, #tpu.memory_space<vmem>>
      %dma_start3A_176 = tpu.memref_slice %arg2[%multiple_of3A_172, %multiple_of3A_169] : memref<128x100000xf32, #tpu.memory_space<hbm>> -> memref<8x128xf32, #tpu.memory_space<hbm>>
      %dma_start3A_177 = arith.constant 72 : i32
      %dma_start3A_178 = arith.constant 0 : i32
      %dma_start3A_179 = tpu.memref_slice %arg6[%dma_start3A_177, %dma_start3A_178] : memref<128x128xf32, #tpu.memory_space<vmem>> -> memref<8x128xf32, #tpu.memory_space<vmem>>
      %dma_start3A_180 = tpu.memref_slice %arg2[%multiple_of3A_172, %multiple_of3A_169] : memref<128x100000xf32, #tpu.memory_space<hbm>> -> memref<8x128xf32, #tpu.memory_space<hbm>>
      tpu.enqueue_dma source(%dma_start3A_180 : memref<8x128xf32, #tpu.memory_space<hbm>>) target(%dma_start3A_179 : memref<8x128xf32, #tpu.memory_space<vmem>>) target_semaphore(%arg8 : memref<!tpu.dma_semaphore, #tpu.memory_space<semaphore_mem>>)
      %slice3A_181 = vector.extract_strided_slice %get3A_6 {offsets = [10], sizes = [1], strides = [1]} : vector<16xi32> to vector<1xi32>
      %squeeze3A_182 = vector.extract %slice3A_181[0] : i32 from vector<1xi32>
      %shift_right_arithmetic3A_183 = arith.constant 7 : i32
      %shift_right_arithmetic3A_184 = arith.shrsi %squeeze3A_182, %shift_right_arithmetic3A_183 : i32
      %shift_left3A_185 = arith.constant 7 : i32
      %shift_left3A_186 = arith.shli %shift_right_arithmetic3A_184, %shift_left3A_185 : i32
      %multiple_of3A_187 = tpu.assume_multiple %shift_left3A_186, 128 : i32
      %add3A_188 = arith.constant 8 : i32
      %add3A_189 = arith.addi %mul3A_4, %add3A_188 : i32
      %multiple_of3A_190 = tpu.assume_multiple %add3A_189, 8 : i32
      %dma_start3A_191 = arith.constant 80 : i32
      %dma_start3A_192 = arith.constant 0 : i32
      %dma_start3A_193 = tpu.memref_slice %arg6[%dma_start3A_191, %dma_start3A_192] : memref<128x128xf32, #tpu.memory_space<vmem>> -> memref<8x128xf32, #tpu.memory_space<vmem>>
      %dma_start3A_194 = tpu.memref_slice %arg2[%multiple_of3A_190, %multiple_of3A_187] : memref<128x100000xf32, #tpu.memory_space<hbm>> -> memref<8x128xf32, #tpu.memory_space<hbm>>
      %dma_start3A_195 = arith.constant 80 : i32
      %dma_start3A_196 = arith.constant 0 : i32
      %dma_start3A_197 = tpu.memref_slice %arg6[%dma_start3A_195, %dma_start3A_196] : memref<128x128xf32, #tpu.memory_space<vmem>> -> memref<8x128xf32, #tpu.memory_space<vmem>>
      %dma_start3A_198 = tpu.memref_slice %arg2[%multiple_of3A_190, %multiple_of3A_187] : memref<128x100000xf32, #tpu.memory_space<hbm>> -> memref<8x128xf32, #tpu.memory_space<hbm>>
      tpu.enqueue_dma source(%dma_start3A_198 : memref<8x128xf32, #tpu.memory_space<hbm>>) target(%dma_start3A_197 : memref<8x128xf32, #tpu.memory_space<vmem>>) target_semaphore(%arg8 : memref<!tpu.dma_semaphore, #tpu.memory_space<semaphore_mem>>)
      %slice3A_199 = vector.extract_strided_slice %get3A_6 {offsets = [11], sizes = [1], strides = [1]} : vector<16xi32> to vector<1xi32>
      %squeeze3A_200 = vector.extract %slice3A_199[0] : i32 from vector<1xi32>
      %shift_right_arithmetic3A_201 = arith.constant 7 : i32
      %shift_right_arithmetic3A_202 = arith.shrsi %squeeze3A_200, %shift_right_arithmetic3A_201 : i32
      %shift_left3A_203 = arith.constant 7 : i32
      %shift_left3A_204 = arith.shli %shift_right_arithmetic3A_202, %shift_left3A_203 : i32
      %multiple_of3A_205 = tpu.assume_multiple %shift_left3A_204, 128 : i32
      %add3A_206 = arith.constant 8 : i32
      %add3A_207 = arith.addi %mul3A_4, %add3A_206 : i32
      %multiple_of3A_208 = tpu.assume_multiple %add3A_207, 8 : i32
      %dma_start3A_209 = arith.constant 88 : i32
      %dma_start3A_210 = arith.constant 0 : i32
      %dma_start3A_211 = tpu.memref_slice %arg6[%dma_start3A_209, %dma_start3A_210] : memref<128x128xf32, #tpu.memory_space<vmem>> -> memref<8x128xf32, #tpu.memory_space<vmem>>
      %dma_start3A_212 = tpu.memref_slice %arg2[%multiple_of3A_208, %multiple_of3A_205] : memref<128x100000xf32, #tpu.memory_space<hbm>> -> memref<8x128xf32, #tpu.memory_space<hbm>>
      %dma_start3A_213 = arith.constant 88 : i32
      %dma_start3A_214 = arith.constant 0 : i32
      %dma_start3A_215 = tpu.memref_slice %arg6[%dma_start3A_213, %dma_start3A_214] : memref<128x128xf32, #tpu.memory_space<vmem>> -> memref<8x128xf32, #tpu.memory_space<vmem>>
      %dma_start3A_216 = tpu.memref_slice %arg2[%multiple_of3A_208, %multiple_of3A_205] : memref<128x100000xf32, #tpu.memory_space<hbm>> -> memref<8x128xf32, #tpu.memory_space<hbm>>
      tpu.enqueue_dma source(%dma_start3A_216 : memref<8x128xf32, #tpu.memory_space<hbm>>) target(%dma_start3A_215 : memref<8x128xf32, #tpu.memory_space<vmem>>) target_semaphore(%arg8 : memref<!tpu.dma_semaphore, #tpu.memory_space<semaphore_mem>>)
      %slice3A_217 = vector.extract_strided_slice %get3A_6 {offsets = [12], sizes = [1], strides = [1]} : vector<16xi32> to vector<1xi32>
      %squeeze3A_218 = vector.extract %slice3A_217[0] : i32 from vector<1xi32>
      %shift_right_arithmetic3A_219 = arith.constant 7 : i32
      %shift_right_arithmetic3A_220 = arith.shrsi %squeeze3A_218, %shift_right_arithmetic3A_219 : i32
      %shift_left3A_221 = arith.constant 7 : i32
      %shift_left3A_222 = arith.shli %shift_right_arithmetic3A_220, %shift_left3A_221 : i32
      %multiple_of3A_223 = tpu.assume_multiple %shift_left3A_222, 128 : i32
      %add3A_224 = arith.constant 8 : i32
      %add3A_225 = arith.addi %mul3A_4, %add3A_224 : i32
      %multiple_of3A_226 = tpu.assume_multiple %add3A_225, 8 : i32
      %dma_start3A_227 = arith.constant 96 : i32
      %dma_start3A_228 = arith.constant 0 : i32
      %dma_start3A_229 = tpu.memref_slice %arg6[%dma_start3A_227, %dma_start3A_228] : memref<128x128xf32, #tpu.memory_space<vmem>> -> memref<8x128xf32, #tpu.memory_space<vmem>>
      %dma_start3A_230 = tpu.memref_slice %arg2[%multiple_of3A_226, %multiple_of3A_223] : memref<128x100000xf32, #tpu.memory_space<hbm>> -> memref<8x128xf32, #tpu.memory_space<hbm>>
      %dma_start3A_231 = arith.constant 96 : i32
      %dma_start3A_232 = arith.constant 0 : i32
      %dma_start3A_233 = tpu.memref_slice %arg6[%dma_start3A_231, %dma_start3A_232] : memref<128x128xf32, #tpu.memory_space<vmem>> -> memref<8x128xf32, #tpu.memory_space<vmem>>
      %dma_start3A_234 = tpu.memref_slice %arg2[%multiple_of3A_226, %multiple_of3A_223] : memref<128x100000xf32, #tpu.memory_space<hbm>> -> memref<8x128xf32, #tpu.memory_space<hbm>>
      tpu.enqueue_dma source(%dma_start3A_234 : memref<8x128xf32, #tpu.memory_space<hbm>>) target(%dma_start3A_233 : memref<8x128xf32, #tpu.memory_space<vmem>>) target_semaphore(%arg8 : memref<!tpu.dma_semaphore, #tpu.memory_space<semaphore_mem>>)
      %slice3A_235 = vector.extract_strided_slice %get3A_6 {offsets = [13], sizes = [1], strides = [1]} : vector<16xi32> to vector<1xi32>
      %squeeze3A_236 = vector.extract %slice3A_235[0] : i32 from vector<1xi32>
      %shift_right_arithmetic3A_237 = arith.constant 7 : i32
      %shift_right_arithmetic3A_238 = arith.shrsi %squeeze3A_236, %shift_right_arithmetic3A_237 : i32
      %shift_left3A_239 = arith.constant 7 : i32
      %shift_left3A_240 = arith.shli %shift_right_arithmetic3A_238, %shift_left3A_239 : i32
      %multiple_of3A_241 = tpu.assume_multiple %shift_left3A_240, 128 : i32
      %add3A_242 = arith.constant 8 : i32
      %add3A_243 = arith.addi %mul3A_4, %add3A_242 : i32
      %multiple_of3A_244 = tpu.assume_multiple %add3A_243, 8 : i32
      %dma_start3A_245 = arith.constant 104 : i32
      %dma_start3A_246 = arith.constant 0 : i32
      %dma_start3A_247 = tpu.memref_slice %arg6[%dma_start3A_245, %dma_start3A_246] : memref<128x128xf32, #tpu.memory_space<vmem>> -> memref<8x128xf32, #tpu.memory_space<vmem>>
      %dma_start3A_248 = tpu.memref_slice %arg2[%multiple_of3A_244, %multiple_of3A_241] : memref<128x100000xf32, #tpu.memory_space<hbm>> -> memref<8x128xf32, #tpu.memory_space<hbm>>
      %dma_start3A_249 = arith.constant 104 : i32
      %dma_start3A_250 = arith.constant 0 : i32
      %dma_start3A_251 = tpu.memref_slice %arg6[%dma_start3A_249, %dma_start3A_250] : memref<128x128xf32, #tpu.memory_space<vmem>> -> memref<8x128xf32, #tpu.memory_space<vmem>>
      %dma_start3A_252 = tpu.memref_slice %arg2[%multiple_of3A_244, %multiple_of3A_241] : memref<128x100000xf32, #tpu.memory_space<hbm>> -> memref<8x128xf32, #tpu.memory_space<hbm>>
      tpu.enqueue_dma source(%dma_start3A_252 : memref<8x128xf32, #tpu.memory_space<hbm>>) target(%dma_start3A_251 : memref<8x128xf32, #tpu.memory_space<vmem>>) target_semaphore(%arg8 : memref<!tpu.dma_semaphore, #tpu.memory_space<semaphore_mem>>)
      %slice3A_253 = vector.extract_strided_slice %get3A_6 {offsets = [14], sizes = [1], strides = [1]} : vector<16xi32> to vector<1xi32>
      %squeeze3A_254 = vector.extract %slice3A_253[0] : i32 from vector<1xi32>
      %shift_right_arithmetic3A_255 = arith.constant 7 : i32
      %shift_right_arithmetic3A_256 = arith.shrsi %squeeze3A_254, %shift_right_arithmetic3A_255 : i32
      %shift_left3A_257 = arith.constant 7 : i32
      %shift_left3A_258 = arith.shli %shift_right_arithmetic3A_256, %shift_left3A_257 : i32
      %multiple_of3A_259 = tpu.assume_multiple %shift_left3A_258, 128 : i32
      %add3A_260 = arith.constant 8 : i32
      %add3A_261 = arith.addi %mul3A_4, %add3A_260 : i32
      %multiple_of3A_262 = tpu.assume_multiple %add3A_261, 8 : i32
      %dma_start3A_263 = arith.constant 112 : i32
      %dma_start3A_264 = arith.constant 0 : i32
      %dma_start3A_265 = tpu.memref_slice %arg6[%dma_start3A_263, %dma_start3A_264] : memref<128x128xf32, #tpu.memory_space<vmem>> -> memref<8x128xf32, #tpu.memory_space<vmem>>
      %dma_start3A_266 = tpu.memref_slice %arg2[%multiple_of3A_262, %multiple_of3A_259] : memref<128x100000xf32, #tpu.memory_space<hbm>> -> memref<8x128xf32, #tpu.memory_space<hbm>>
      %dma_start3A_267 = arith.constant 112 : i32
      %dma_start3A_268 = arith.constant 0 : i32
      %dma_start3A_269 = tpu.memref_slice %arg6[%dma_start3A_267, %dma_start3A_268] : memref<128x128xf32, #tpu.memory_space<vmem>> -> memref<8x128xf32, #tpu.memory_space<vmem>>
      %dma_start3A_270 = tpu.memref_slice %arg2[%multiple_of3A_262, %multiple_of3A_259] : memref<128x100000xf32, #tpu.memory_space<hbm>> -> memref<8x128xf32, #tpu.memory_space<hbm>>
      tpu.enqueue_dma source(%dma_start3A_270 : memref<8x128xf32, #tpu.memory_space<hbm>>) target(%dma_start3A_269 : memref<8x128xf32, #tpu.memory_space<vmem>>) target_semaphore(%arg8 : memref<!tpu.dma_semaphore, #tpu.memory_space<semaphore_mem>>)
      %slice3A_271 = vector.extract_strided_slice %get3A_6 {offsets = [15], sizes = [1], strides = [1]} : vector<16xi32> to vector<1xi32>
      %squeeze3A_272 = vector.extract %slice3A_271[0] : i32 from vector<1xi32>
      %shift_right_arithmetic3A_273 = arith.constant 7 : i32
      %shift_right_arithmetic3A_274 = arith.shrsi %squeeze3A_272, %shift_right_arithmetic3A_273 : i32
      %shift_left3A_275 = arith.constant 7 : i32
      %shift_left3A_276 = arith.shli %shift_right_arithmetic3A_274, %shift_left3A_275 : i32
      %multiple_of3A_277 = tpu.assume_multiple %shift_left3A_276, 128 : i32
      %add3A_278 = arith.constant 8 : i32
      %add3A_279 = arith.addi %mul3A_4, %add3A_278 : i32
      %multiple_of3A_280 = tpu.assume_multiple %add3A_279, 8 : i32
      %dma_start3A_281 = arith.constant 120 : i32
      %dma_start3A_282 = arith.constant 0 : i32
      %dma_start3A_283 = tpu.memref_slice %arg6[%dma_start3A_281, %dma_start3A_282] : memref<128x128xf32, #tpu.memory_space<vmem>> -> memref<8x128xf32, #tpu.memory_space<vmem>>
      %dma_start3A_284 = tpu.memref_slice %arg2[%multiple_of3A_280, %multiple_of3A_277] : memref<128x100000xf32, #tpu.memory_space<hbm>> -> memref<8x128xf32, #tpu.memory_space<hbm>>
      %dma_start3A_285 = arith.constant 120 : i32
      %dma_start3A_286 = arith.constant 0 : i32
      %dma_start3A_287 = tpu.memref_slice %arg6[%dma_start3A_285, %dma_start3A_286] : memref<128x128xf32, #tpu.memory_space<vmem>> -> memref<8x128xf32, #tpu.memory_space<vmem>>
      %dma_start3A_288 = tpu.memref_slice %arg2[%multiple_of3A_280, %multiple_of3A_277] : memref<128x100000xf32, #tpu.memory_space<hbm>> -> memref<8x128xf32, #tpu.memory_space<hbm>>
      tpu.enqueue_dma source(%dma_start3A_288 : memref<8x128xf32, #tpu.memory_space<hbm>>) target(%dma_start3A_287 : memref<8x128xf32, #tpu.memory_space<vmem>>) target_semaphore(%arg8 : memref<!tpu.dma_semaphore, #tpu.memory_space<semaphore_mem>>)
      %dma_wait3A = arith.constant 0 : i32
      %dma_wait3A_289 = arith.constant 0 : i32
      %dma_wait3A_290 = tpu.memref_slice %arg6[%dma_wait3A, %dma_wait3A_289] : memref<128x128xf32, #tpu.memory_space<vmem>> -> memref<8x128xf32, #tpu.memory_space<vmem>>
      %dma_wait3A_291 = tpu.memref_slice %arg2[%multiple_of3A_11, %multiple_of3A] : memref<128x100000xf32, #tpu.memory_space<hbm>> -> memref<8x128xf32, #tpu.memory_space<hbm>>
      %dma_wait3A_292 = arith.constant 0 : i32
      %dma_wait3A_293 = arith.constant 0 : i32
      %dma_wait3A_294 = tpu.memref_slice %arg6[%dma_wait3A_292, %dma_wait3A_293] : memref<128x128xf32, #tpu.memory_space<vmem>> -> memref<8x128xf32, #tpu.memory_space<vmem>>
      %dma_wait3A_295 = tpu.memref_slice %arg2[%multiple_of3A_11, %multiple_of3A] : memref<128x100000xf32, #tpu.memory_space<hbm>> -> memref<8x128xf32, #tpu.memory_space<hbm>>
      tpu.wait_dma2 semaphore(%arg8 : memref<!tpu.dma_semaphore, #tpu.memory_space<semaphore_mem>>) src(%dma_wait3A_295 : memref<8x128xf32, #tpu.memory_space<hbm>>) dst(%dma_wait3A_294 : memref<8x128xf32, #tpu.memory_space<vmem>>)
      %dma_wait3A_296 = arith.constant 8 : i32
      %dma_wait3A_297 = arith.constant 0 : i32
      %dma_wait3A_298 = tpu.memref_slice %arg6[%dma_wait3A_296, %dma_wait3A_297] : memref<128x128xf32, #tpu.memory_space<vmem>> -> memref<8x128xf32, #tpu.memory_space<vmem>>
      %dma_wait3A_299 = tpu.memref_slice %arg2[%multiple_of3A_28, %multiple_of3A_25] : memref<128x100000xf32, #tpu.memory_space<hbm>> -> memref<8x128xf32, #tpu.memory_space<hbm>>
      %dma_wait3A_300 = arith.constant 8 : i32
      %dma_wait3A_301 = arith.constant 0 : i32
      %dma_wait3A_302 = tpu.memref_slice %arg6[%dma_wait3A_300, %dma_wait3A_301] : memref<128x128xf32, #tpu.memory_space<vmem>> -> memref<8x128xf32, #tpu.memory_space<vmem>>
      %dma_wait3A_303 = tpu.memref_slice %arg2[%multiple_of3A_28, %multiple_of3A_25] : memref<128x100000xf32, #tpu.memory_space<hbm>> -> memref<8x128xf32, #tpu.memory_space<hbm>>
      tpu.wait_dma2 semaphore(%arg8 : memref<!tpu.dma_semaphore, #tpu.memory_space<semaphore_mem>>) src(%dma_wait3A_303 : memref<8x128xf32, #tpu.memory_space<hbm>>) dst(%dma_wait3A_302 : memref<8x128xf32, #tpu.memory_space<vmem>>)
      %dma_wait3A_304 = arith.constant 16 : i32
      %dma_wait3A_305 = arith.constant 0 : i32
      %dma_wait3A_306 = tpu.memref_slice %arg6[%dma_wait3A_304, %dma_wait3A_305] : memref<128x128xf32, #tpu.memory_space<vmem>> -> memref<8x128xf32, #tpu.memory_space<vmem>>
      %dma_wait3A_307 = tpu.memref_slice %arg2[%multiple_of3A_46, %multiple_of3A_43] : memref<128x100000xf32, #tpu.memory_space<hbm>> -> memref<8x128xf32, #tpu.memory_space<hbm>>
      %dma_wait3A_308 = arith.constant 16 : i32
      %dma_wait3A_309 = arith.constant 0 : i32
      %dma_wait3A_310 = tpu.memref_slice %arg6[%dma_wait3A_308, %dma_wait3A_309] : memref<128x128xf32, #tpu.memory_space<vmem>> -> memref<8x128xf32, #tpu.memory_space<vmem>>
      %dma_wait3A_311 = tpu.memref_slice %arg2[%multiple_of3A_46, %multiple_of3A_43] : memref<128x100000xf32, #tpu.memory_space<hbm>> -> memref<8x128xf32, #tpu.memory_space<hbm>>
      tpu.wait_dma2 semaphore(%arg8 : memref<!tpu.dma_semaphore, #tpu.memory_space<semaphore_mem>>) src(%dma_wait3A_311 : memref<8x128xf32, #tpu.memory_space<hbm>>) dst(%dma_wait3A_310 : memref<8x128xf32, #tpu.memory_space<vmem>>)
      %dma_wait3A_312 = arith.constant 24 : i32
      %dma_wait3A_313 = arith.constant 0 : i32
      %dma_wait3A_314 = tpu.memref_slice %arg6[%dma_wait3A_312, %dma_wait3A_313] : memref<128x128xf32, #tpu.memory_space<vmem>> -> memref<8x128xf32, #tpu.memory_space<vmem>>
      %dma_wait3A_315 = tpu.memref_slice %arg2[%multiple_of3A_64, %multiple_of3A_61] : memref<128x100000xf32, #tpu.memory_space<hbm>> -> memref<8x128xf32, #tpu.memory_space<hbm>>
      %dma_wait3A_316 = arith.constant 24 : i32
      %dma_wait3A_317 = arith.constant 0 : i32
      %dma_wait3A_318 = tpu.memref_slice %arg6[%dma_wait3A_316, %dma_wait3A_317] : memref<128x128xf32, #tpu.memory_space<vmem>> -> memref<8x128xf32, #tpu.memory_space<vmem>>
      %dma_wait3A_319 = tpu.memref_slice %arg2[%multiple_of3A_64, %multiple_of3A_61] : memref<128x100000xf32, #tpu.memory_space<hbm>> -> memref<8x128xf32, #tpu.memory_space<hbm>>
      tpu.wait_dma2 semaphore(%arg8 : memref<!tpu.dma_semaphore, #tpu.memory_space<semaphore_mem>>) src(%dma_wait3A_319 : memref<8x128xf32, #tpu.memory_space<hbm>>) dst(%dma_wait3A_318 : memref<8x128xf32, #tpu.memory_space<vmem>>)
      %dma_wait3A_320 = arith.constant 32 : i32
      %dma_wait3A_321 = arith.constant 0 : i32
      %dma_wait3A_322 = tpu.memref_slice %arg6[%dma_wait3A_320, %dma_wait3A_321] : memref<128x128xf32, #tpu.memory_space<vmem>> -> memref<8x128xf32, #tpu.memory_space<vmem>>
      %dma_wait3A_323 = tpu.memref_slice %arg2[%multiple_of3A_82, %multiple_of3A_79] : memref<128x100000xf32, #tpu.memory_space<hbm>> -> memref<8x128xf32, #tpu.memory_space<hbm>>
      %dma_wait3A_324 = arith.constant 32 : i32
      %dma_wait3A_325 = arith.constant 0 : i32
      %dma_wait3A_326 = tpu.memref_slice %arg6[%dma_wait3A_324, %dma_wait3A_325] : memref<128x128xf32, #tpu.memory_space<vmem>> -> memref<8x128xf32, #tpu.memory_space<vmem>>
      %dma_wait3A_327 = tpu.memref_slice %arg2[%multiple_of3A_82, %multiple_of3A_79] : memref<128x100000xf32, #tpu.memory_space<hbm>> -> memref<8x128xf32, #tpu.memory_space<hbm>>
      tpu.wait_dma2 semaphore(%arg8 : memref<!tpu.dma_semaphore, #tpu.memory_space<semaphore_mem>>) src(%dma_wait3A_327 : memref<8x128xf32, #tpu.memory_space<hbm>>) dst(%dma_wait3A_326 : memref<8x128xf32, #tpu.memory_space<vmem>>)
      %dma_wait3A_328 = arith.constant 40 : i32
      %dma_wait3A_329 = arith.constant 0 : i32
      %dma_wait3A_330 = tpu.memref_slice %arg6[%dma_wait3A_328, %dma_wait3A_329] : memref<128x128xf32, #tpu.memory_space<vmem>> -> memref<8x128xf32, #tpu.memory_space<vmem>>
      %dma_wait3A_331 = tpu.memref_slice %arg2[%multiple_of3A_100, %multiple_of3A_97] : memref<128x100000xf32, #tpu.memory_space<hbm>> -> memref<8x128xf32, #tpu.memory_space<hbm>>
      %dma_wait3A_332 = arith.constant 40 : i32
      %dma_wait3A_333 = arith.constant 0 : i32
      %dma_wait3A_334 = tpu.memref_slice %arg6[%dma_wait3A_332, %dma_wait3A_333] : memref<128x128xf32, #tpu.memory_space<vmem>> -> memref<8x128xf32, #tpu.memory_space<vmem>>
      %dma_wait3A_335 = tpu.memref_slice %arg2[%multiple_of3A_100, %multiple_of3A_97] : memref<128x100000xf32, #tpu.memory_space<hbm>> -> memref<8x128xf32, #tpu.memory_space<hbm>>
      tpu.wait_dma2 semaphore(%arg8 : memref<!tpu.dma_semaphore, #tpu.memory_space<semaphore_mem>>) src(%dma_wait3A_335 : memref<8x128xf32, #tpu.memory_space<hbm>>) dst(%dma_wait3A_334 : memref<8x128xf32, #tpu.memory_space<vmem>>)
      %dma_wait3A_336 = arith.constant 48 : i32
      %dma_wait3A_337 = arith.constant 0 : i32
      %dma_wait3A_338 = tpu.memref_slice %arg6[%dma_wait3A_336, %dma_wait3A_337] : memref<128x128xf32, #tpu.memory_space<vmem>> -> memref<8x128xf32, #tpu.memory_space<vmem>>
      %dma_wait3A_339 = tpu.memref_slice %arg2[%multiple_of3A_118, %multiple_of3A_115] : memref<128x100000xf32, #tpu.memory_space<hbm>> -> memref<8x128xf32, #tpu.memory_space<hbm>>
      %dma_wait3A_340 = arith.constant 48 : i32
      %dma_wait3A_341 = arith.constant 0 : i32
      %dma_wait3A_342 = tpu.memref_slice %arg6[%dma_wait3A_340, %dma_wait3A_341] : memref<128x128xf32, #tpu.memory_space<vmem>> -> memref<8x128xf32, #tpu.memory_space<vmem>>
      %dma_wait3A_343 = tpu.memref_slice %arg2[%multiple_of3A_118, %multiple_of3A_115] : memref<128x100000xf32, #tpu.memory_space<hbm>> -> memref<8x128xf32, #tpu.memory_space<hbm>>
      tpu.wait_dma2 semaphore(%arg8 : memref<!tpu.dma_semaphore, #tpu.memory_space<semaphore_mem>>) src(%dma_wait3A_343 : memref<8x128xf32, #tpu.memory_space<hbm>>) dst(%dma_wait3A_342 : memref<8x128xf32, #tpu.memory_space<vmem>>)
      %dma_wait3A_344 = arith.constant 56 : i32
      %dma_wait3A_345 = arith.constant 0 : i32
      %dma_wait3A_346 = tpu.memref_slice %arg6[%dma_wait3A_344, %dma_wait3A_345] : memref<128x128xf32, #tpu.memory_space<vmem>> -> memref<8x128xf32, #tpu.memory_space<vmem>>
      %dma_wait3A_347 = tpu.memref_slice %arg2[%multiple_of3A_136, %multiple_of3A_133] : memref<128x100000xf32, #tpu.memory_space<hbm>> -> memref<8x128xf32, #tpu.memory_space<hbm>>
      %dma_wait3A_348 = arith.constant 56 : i32
      %dma_wait3A_349 = arith.constant 0 : i32
      %dma_wait3A_350 = tpu.memref_slice %arg6[%dma_wait3A_348, %dma_wait3A_349] : memref<128x128xf32, #tpu.memory_space<vmem>> -> memref<8x128xf32, #tpu.memory_space<vmem>>
      %dma_wait3A_351 = tpu.memref_slice %arg2[%multiple_of3A_136, %multiple_of3A_133] : memref<128x100000xf32, #tpu.memory_space<hbm>> -> memref<8x128xf32, #tpu.memory_space<hbm>>
      tpu.wait_dma2 semaphore(%arg8 : memref<!tpu.dma_semaphore, #tpu.memory_space<semaphore_mem>>) src(%dma_wait3A_351 : memref<8x128xf32, #tpu.memory_space<hbm>>) dst(%dma_wait3A_350 : memref<8x128xf32, #tpu.memory_space<vmem>>)
      %dma_wait3A_352 = arith.constant 64 : i32
      %dma_wait3A_353 = arith.constant 0 : i32
      %dma_wait3A_354 = tpu.memref_slice %arg6[%dma_wait3A_352, %dma_wait3A_353] : memref<128x128xf32, #tpu.memory_space<vmem>> -> memref<8x128xf32, #tpu.memory_space<vmem>>
      %dma_wait3A_355 = tpu.memref_slice %arg2[%multiple_of3A_154, %multiple_of3A_151] : memref<128x100000xf32, #tpu.memory_space<hbm>> -> memref<8x128xf32, #tpu.memory_space<hbm>>
      %dma_wait3A_356 = arith.constant 64 : i32
      %dma_wait3A_357 = arith.constant 0 : i32
      %dma_wait3A_358 = tpu.memref_slice %arg6[%dma_wait3A_356, %dma_wait3A_357] : memref<128x128xf32, #tpu.memory_space<vmem>> -> memref<8x128xf32, #tpu.memory_space<vmem>>
      %dma_wait3A_359 = tpu.memref_slice %arg2[%multiple_of3A_154, %multiple_of3A_151] : memref<128x100000xf32, #tpu.memory_space<hbm>> -> memref<8x128xf32, #tpu.memory_space<hbm>>
      tpu.wait_dma2 semaphore(%arg8 : memref<!tpu.dma_semaphore, #tpu.memory_space<semaphore_mem>>) src(%dma_wait3A_359 : memref<8x128xf32, #tpu.memory_space<hbm>>) dst(%dma_wait3A_358 : memref<8x128xf32, #tpu.memory_space<vmem>>)
      %dma_wait3A_360 = arith.constant 72 : i32
      %dma_wait3A_361 = arith.constant 0 : i32
      %dma_wait3A_362 = tpu.memref_slice %arg6[%dma_wait3A_360, %dma_wait3A_361] : memref<128x128xf32, #tpu.memory_space<vmem>> -> memref<8x128xf32, #tpu.memory_space<vmem>>
      %dma_wait3A_363 = tpu.memref_slice %arg2[%multiple_of3A_172, %multiple_of3A_169] : memref<128x100000xf32, #tpu.memory_space<hbm>> -> memref<8x128xf32, #tpu.memory_space<hbm>>
      %dma_wait3A_364 = arith.constant 72 : i32
      %dma_wait3A_365 = arith.constant 0 : i32
      %dma_wait3A_366 = tpu.memref_slice %arg6[%dma_wait3A_364, %dma_wait3A_365] : memref<128x128xf32, #tpu.memory_space<vmem>> -> memref<8x128xf32, #tpu.memory_space<vmem>>
      %dma_wait3A_367 = tpu.memref_slice %arg2[%multiple_of3A_172, %multiple_of3A_169] : memref<128x100000xf32, #tpu.memory_space<hbm>> -> memref<8x128xf32, #tpu.memory_space<hbm>>
      tpu.wait_dma2 semaphore(%arg8 : memref<!tpu.dma_semaphore, #tpu.memory_space<semaphore_mem>>) src(%dma_wait3A_367 : memref<8x128xf32, #tpu.memory_space<hbm>>) dst(%dma_wait3A_366 : memref<8x128xf32, #tpu.memory_space<vmem>>)
      %dma_wait3A_368 = arith.constant 80 : i32
      %dma_wait3A_369 = arith.constant 0 : i32
      %dma_wait3A_370 = tpu.memref_slice %arg6[%dma_wait3A_368, %dma_wait3A_369] : memref<128x128xf32, #tpu.memory_space<vmem>> -> memref<8x128xf32, #tpu.memory_space<vmem>>
      %dma_wait3A_371 = tpu.memref_slice %arg2[%multiple_of3A_190, %multiple_of3A_187] : memref<128x100000xf32, #tpu.memory_space<hbm>> -> memref<8x128xf32, #tpu.memory_space<hbm>>
      %dma_wait3A_372 = arith.constant 80 : i32
      %dma_wait3A_373 = arith.constant 0 : i32
      %dma_wait3A_374 = tpu.memref_slice %arg6[%dma_wait3A_372, %dma_wait3A_373] : memref<128x128xf32, #tpu.memory_space<vmem>> -> memref<8x128xf32, #tpu.memory_space<vmem>>
      %dma_wait3A_375 = tpu.memref_slice %arg2[%multiple_of3A_190, %multiple_of3A_187] : memref<128x100000xf32, #tpu.memory_space<hbm>> -> memref<8x128xf32, #tpu.memory_space<hbm>>
      tpu.wait_dma2 semaphore(%arg8 : memref<!tpu.dma_semaphore, #tpu.memory_space<semaphore_mem>>) src(%dma_wait3A_375 : memref<8x128xf32, #tpu.memory_space<hbm>>) dst(%dma_wait3A_374 : memref<8x128xf32, #tpu.memory_space<vmem>>)
      %dma_wait3A_376 = arith.constant 88 : i32
      %dma_wait3A_377 = arith.constant 0 : i32
      %dma_wait3A_378 = tpu.memref_slice %arg6[%dma_wait3A_376, %dma_wait3A_377] : memref<128x128xf32, #tpu.memory_space<vmem>> -> memref<8x128xf32, #tpu.memory_space<vmem>>
      %dma_wait3A_379 = tpu.memref_slice %arg2[%multiple_of3A_208, %multiple_of3A_205] : memref<128x100000xf32, #tpu.memory_space<hbm>> -> memref<8x128xf32, #tpu.memory_space<hbm>>
      %dma_wait3A_380 = arith.constant 88 : i32
      %dma_wait3A_381 = arith.constant 0 : i32
      %dma_wait3A_382 = tpu.memref_slice %arg6[%dma_wait3A_380, %dma_wait3A_381] : memref<128x128xf32, #tpu.memory_space<vmem>> -> memref<8x128xf32, #tpu.memory_space<vmem>>
      %dma_wait3A_383 = tpu.memref_slice %arg2[%multiple_of3A_208, %multiple_of3A_205] : memref<128x100000xf32, #tpu.memory_space<hbm>> -> memref<8x128xf32, #tpu.memory_space<hbm>>
      tpu.wait_dma2 semaphore(%arg8 : memref<!tpu.dma_semaphore, #tpu.memory_space<semaphore_mem>>) src(%dma_wait3A_383 : memref<8x128xf32, #tpu.memory_space<hbm>>) dst(%dma_wait3A_382 : memref<8x128xf32, #tpu.memory_space<vmem>>)
      %dma_wait3A_384 = arith.constant 96 : i32
      %dma_wait3A_385 = arith.constant 0 : i32
      %dma_wait3A_386 = tpu.memref_slice %arg6[%dma_wait3A_384, %dma_wait3A_385] : memref<128x128xf32, #tpu.memory_space<vmem>> -> memref<8x128xf32, #tpu.memory_space<vmem>>
      %dma_wait3A_387 = tpu.memref_slice %arg2[%multiple_of3A_226, %multiple_of3A_223] : memref<128x100000xf32, #tpu.memory_space<hbm>> -> memref<8x128xf32, #tpu.memory_space<hbm>>
      %dma_wait3A_388 = arith.constant 96 : i32
      %dma_wait3A_389 = arith.constant 0 : i32
      %dma_wait3A_390 = tpu.memref_slice %arg6[%dma_wait3A_388, %dma_wait3A_389] : memref<128x128xf32, #tpu.memory_space<vmem>> -> memref<8x128xf32, #tpu.memory_space<vmem>>
      %dma_wait3A_391 = tpu.memref_slice %arg2[%multiple_of3A_226, %multiple_of3A_223] : memref<128x100000xf32, #tpu.memory_space<hbm>> -> memref<8x128xf32, #tpu.memory_space<hbm>>
      tpu.wait_dma2 semaphore(%arg8 : memref<!tpu.dma_semaphore, #tpu.memory_space<semaphore_mem>>) src(%dma_wait3A_391 : memref<8x128xf32, #tpu.memory_space<hbm>>) dst(%dma_wait3A_390 : memref<8x128xf32, #tpu.memory_space<vmem>>)
      %dma_wait3A_392 = arith.constant 104 : i32
      %dma_wait3A_393 = arith.constant 0 : i32
      %dma_wait3A_394 = tpu.memref_slice %arg6[%dma_wait3A_392, %dma_wait3A_393] : memref<128x128xf32, #tpu.memory_space<vmem>> -> memref<8x128xf32, #tpu.memory_space<vmem>>
      %dma_wait3A_395 = tpu.memref_slice %arg2[%multiple_of3A_244, %multiple_of3A_241] : memref<128x100000xf32, #tpu.memory_space<hbm>> -> memref<8x128xf32, #tpu.memory_space<hbm>>
      %dma_wait3A_396 = arith.constant 104 : i32
      %dma_wait3A_397 = arith.constant 0 : i32
      %dma_wait3A_398 = tpu.memref_slice %arg6[%dma_wait3A_396, %dma_wait3A_397] : memref<128x128xf32, #tpu.memory_space<vmem>> -> memref<8x128xf32, #tpu.memory_space<vmem>>
      %dma_wait3A_399 = tpu.memref_slice %arg2[%multiple_of3A_244, %multiple_of3A_241] : memref<128x100000xf32, #tpu.memory_space<hbm>> -> memref<8x128xf32, #tpu.memory_space<hbm>>
      tpu.wait_dma2 semaphore(%arg8 : memref<!tpu.dma_semaphore, #tpu.memory_space<semaphore_mem>>) src(%dma_wait3A_399 : memref<8x128xf32, #tpu.memory_space<hbm>>) dst(%dma_wait3A_398 : memref<8x128xf32, #tpu.memory_space<vmem>>)
      %dma_wait3A_400 = arith.constant 112 : i32
      %dma_wait3A_401 = arith.constant 0 : i32
      %dma_wait3A_402 = tpu.memref_slice %arg6[%dma_wait3A_400, %dma_wait3A_401] : memref<128x128xf32, #tpu.memory_space<vmem>> -> memref<8x128xf32, #tpu.memory_space<vmem>>
      %dma_wait3A_403 = tpu.memref_slice %arg2[%multiple_of3A_262, %multiple_of3A_259] : memref<128x100000xf32, #tpu.memory_space<hbm>> -> memref<8x128xf32, #tpu.memory_space<hbm>>
      %dma_wait3A_404 = arith.constant 112 : i32
      %dma_wait3A_405 = arith.constant 0 : i32
      %dma_wait3A_406 = tpu.memref_slice %arg6[%dma_wait3A_404, %dma_wait3A_405] : memref<128x128xf32, #tpu.memory_space<vmem>> -> memref<8x128xf32, #tpu.memory_space<vmem>>
      %dma_wait3A_407 = tpu.memref_slice %arg2[%multiple_of3A_262, %multiple_of3A_259] : memref<128x100000xf32, #tpu.memory_space<hbm>> -> memref<8x128xf32, #tpu.memory_space<hbm>>
      tpu.wait_dma2 semaphore(%arg8 : memref<!tpu.dma_semaphore, #tpu.memory_space<semaphore_mem>>) src(%dma_wait3A_407 : memref<8x128xf32, #tpu.memory_space<hbm>>) dst(%dma_wait3A_406 : memref<8x128xf32, #tpu.memory_space<vmem>>)
      %dma_wait3A_408 = arith.constant 120 : i32
      %dma_wait3A_409 = arith.constant 0 : i32
      %dma_wait3A_410 = tpu.memref_slice %arg6[%dma_wait3A_408, %dma_wait3A_409] : memref<128x128xf32, #tpu.memory_space<vmem>> -> memref<8x128xf32, #tpu.memory_space<vmem>>
      %dma_wait3A_411 = tpu.memref_slice %arg2[%multiple_of3A_280, %multiple_of3A_277] : memref<128x100000xf32, #tpu.memory_space<hbm>> -> memref<8x128xf32, #tpu.memory_space<hbm>>
      %dma_wait3A_412 = arith.constant 120 : i32
      %dma_wait3A_413 = arith.constant 0 : i32
      %dma_wait3A_414 = tpu.memref_slice %arg6[%dma_wait3A_412, %dma_wait3A_413] : memref<128x128xf32, #tpu.memory_space<vmem>> -> memref<8x128xf32, #tpu.memory_space<vmem>>
      %dma_wait3A_415 = tpu.memref_slice %arg2[%multiple_of3A_280, %multiple_of3A_277] : memref<128x100000xf32, #tpu.memory_space<hbm>> -> memref<8x128xf32, #tpu.memory_space<hbm>>
      tpu.wait_dma2 semaphore(%arg8 : memref<!tpu.dma_semaphore, #tpu.memory_space<semaphore_mem>>) src(%dma_wait3A_415 : memref<8x128xf32, #tpu.memory_space<hbm>>) dst(%dma_wait3A_414 : memref<8x128xf32, #tpu.memory_space<vmem>>)
      %slice3A_416 = vector.extract_strided_slice %get3A_6 {offsets = [0], sizes = [1], strides = [1]} : vector<16xi32> to vector<1xi32>
      %squeeze3A_417 = vector.extract %slice3A_416[0] : i32 from vector<1xi32>
      %and3A = arith.constant 127 : i32
      %and3A_418 = arith.andi %squeeze3A_417, %and3A : i32
      %shift_right_arithmetic3A_419 = arith.constant 4 : i32
      %shift_right_arithmetic3A_420 = arith.shrsi %and3A_418, %shift_right_arithmetic3A_419 : i32
      %shift_left3A_421 = arith.constant 4 : i32
      %shift_left3A_422 = arith.shli %shift_right_arithmetic3A_420, %shift_left3A_421 : i32
      %multiple_of3A_423 = tpu.assume_multiple %shift_left3A_422, 16 : i32
      %get3A_424 = arith.constant 0 : i32
      %get3A_425 = arith.index_cast %get3A_424 : i32 to index
      %get3A_426 = arith.index_cast %multiple_of3A_423 : i32 to index
      %get3A_427 = tpu.vector_load %arg6[%get3A_425, %get3A_426] {strides = array<i32>} : memref<128x128xf32, #tpu.memory_space<vmem>>, vector<1x16xf32>,
      %get3A_428 = vector.shape_cast %get3A_427 : vector<1x16xf32> to vector<16xf32>
      %swap3A = arith.constant 0 : index
      %swap3A_429 = tpu.vector_load %arg7[%swap3A] {strides = array<i32>} : memref<16xf32, #tpu.memory_space<vmem>>, vector<16xf32>,
      %swap3A_430 = vector.shape_cast %swap3A_429 : vector<16xf32> to vector<16xf32>
      %swap3A_431 = vector.shape_cast %get3A_428 : vector<16xf32> to vector<16xf32>
      tpu.vector_store %arg7[%swap3A], %swap3A_431 {strides = array<i32>} : memref<16xf32, #tpu.memory_space<vmem>>, vector<16xf32>,
      %add3A_432 = arith.constant 0 : i32
      %add3A_433 = arith.addi %mul3A_4, %add3A_432 : i32
      %mul3A_434 = arith.constant 16 : i32
      %mul3A_435 = arith.muli %add3A_433, %mul3A_434 : i32
      "tpu.region"() ({
        %run_scoped3A = tpu.sem_alloc : memref<!tpu.dma_semaphore, #tpu.memory_space<semaphore_mem>>
        %dma_start3A_766 = tpu.memref_slice %arg4[%mul3A_435] : memref<2048xf32, #tpu.memory_space<hbm>> -> memref<16xf32, #tpu.memory_space<hbm>>
        %dma_start3A_767 = tpu.memref_slice %arg4[%mul3A_435] : memref<2048xf32, #tpu.memory_space<hbm>> -> memref<16xf32, #tpu.memory_space<hbm>>
        tpu.enqueue_dma source(%arg7 : memref<16xf32, #tpu.memory_space<vmem>>) target(%dma_start3A_767 : memref<16xf32, #tpu.memory_space<hbm>>) target_semaphore(%run_scoped3A : memref<!tpu.dma_semaphore, #tpu.memory_space<semaphore_mem>>)
        %dma_wait3A_768 = tpu.memref_slice %arg4[%mul3A_435] : memref<2048xf32, #tpu.memory_space<hbm>> -> memref<16xf32, #tpu.memory_space<hbm>>
        %dma_wait3A_769 = tpu.memref_slice %arg4[%mul3A_435] : memref<2048xf32, #tpu.memory_space<hbm>> -> memref<16xf32, #tpu.memory_space<hbm>>
        tpu.wait_dma2 semaphore(%run_scoped3A : memref<!tpu.dma_semaphore, #tpu.memory_space<semaphore_mem>>) src(%arg7 : memref<16xf32, #tpu.memory_space<vmem>>) dst(%dma_wait3A_769 : memref<16xf32, #tpu.memory_space<hbm>>)
        tpu.yield
      }) : () -> ()
      %slice3A_436 = vector.extract_strided_slice %get3A_6 {offsets = [1], sizes = [1], strides = [1]} : vector<16xi32> to vector<1xi32>
      %squeeze3A_437 = vector.extract %slice3A_436[0] : i32 from vector<1xi32>
      %and3A_438 = arith.constant 127 : i32
      %and3A_439 = arith.andi %squeeze3A_437, %and3A_438 : i32
      %shift_right_arithmetic3A_440 = arith.constant 4 : i32
      %shift_right_arithmetic3A_441 = arith.shrsi %and3A_439, %shift_right_arithmetic3A_440 : i32
      %shift_left3A_442 = arith.constant 4 : i32
      %shift_left3A_443 = arith.shli %shift_right_arithmetic3A_441, %shift_left3A_442 : i32
      %multiple_of3A_444 = tpu.assume_multiple %shift_left3A_443, 16 : i32
      %get3A_445 = arith.constant 9 : i32
      %get3A_446 = arith.index_cast %get3A_445 : i32 to index
      %get3A_447 = arith.index_cast %multiple_of3A_444 : i32 to index
      %get3A_448 = tpu.vector_load %arg6[%get3A_446, %get3A_447] {strides = array<i32>} : memref<128x128xf32, #tpu.memory_space<vmem>>, vector<1x16xf32>,
      %get3A_449 = vector.shape_cast %get3A_448 : vector<1x16xf32> to vector<16xf32>
      %swap3A_450 = arith.constant 0 : index
      %swap3A_451 = tpu.vector_load %arg7[%swap3A_450] {strides = array<i32>} : memref<16xf32, #tpu.memory_space<vmem>>, vector<16xf32>,
      %swap3A_452 = vector.shape_cast %swap3A_451 : vector<16xf32> to vector<16xf32>
      %swap3A_453 = vector.shape_cast %get3A_449 : vector<16xf32> to vector<16xf32>
      tpu.vector_store %arg7[%swap3A_450], %swap3A_453 {strides = array<i32>} : memref<16xf32, #tpu.memory_space<vmem>>, vector<16xf32>,
      %add3A_454 = arith.constant 1 : i32
      %add3A_455 = arith.addi %mul3A_4, %add3A_454 : i32
      %mul3A_456 = arith.constant 16 : i32
      %mul3A_457 = arith.muli %add3A_455, %mul3A_456 : i32
      "tpu.region"() ({
        %run_scoped3A = tpu.sem_alloc : memref<!tpu.dma_semaphore, #tpu.memory_space<semaphore_mem>>
        %dma_start3A_766 = tpu.memref_slice %arg4[%mul3A_457] : memref<2048xf32, #tpu.memory_space<hbm>> -> memref<16xf32, #tpu.memory_space<hbm>>
        %dma_start3A_767 = tpu.memref_slice %arg4[%mul3A_457] : memref<2048xf32, #tpu.memory_space<hbm>> -> memref<16xf32, #tpu.memory_space<hbm>>
        tpu.enqueue_dma source(%arg7 : memref<16xf32, #tpu.memory_space<vmem>>) target(%dma_start3A_767 : memref<16xf32, #tpu.memory_space<hbm>>) target_semaphore(%run_scoped3A : memref<!tpu.dma_semaphore, #tpu.memory_space<semaphore_mem>>)
        %dma_wait3A_768 = tpu.memref_slice %arg4[%mul3A_457] : memref<2048xf32, #tpu.memory_space<hbm>> -> memref<16xf32, #tpu.memory_space<hbm>>
        %dma_wait3A_769 = tpu.memref_slice %arg4[%mul3A_457] : memref<2048xf32, #tpu.memory_space<hbm>> -> memref<16xf32, #tpu.memory_space<hbm>>
        tpu.wait_dma2 semaphore(%run_scoped3A : memref<!tpu.dma_semaphore, #tpu.memory_space<semaphore_mem>>) src(%arg7 : memref<16xf32, #tpu.memory_space<vmem>>) dst(%dma_wait3A_769 : memref<16xf32, #tpu.memory_space<hbm>>)
        tpu.yield
      }) : () -> ()
      %slice3A_458 = vector.extract_strided_slice %get3A_6 {offsets = [2], sizes = [1], strides = [1]} : vector<16xi32> to vector<1xi32>
      %squeeze3A_459 = vector.extract %slice3A_458[0] : i32 from vector<1xi32>
      %and3A_460 = arith.constant 127 : i32
      %and3A_461 = arith.andi %squeeze3A_459, %and3A_460 : i32
      %shift_right_arithmetic3A_462 = arith.constant 4 : i32
      %shift_right_arithmetic3A_463 = arith.shrsi %and3A_461, %shift_right_arithmetic3A_462 : i32
      %shift_left3A_464 = arith.constant 4 : i32
      %shift_left3A_465 = arith.shli %shift_right_arithmetic3A_463, %shift_left3A_464 : i32
      %multiple_of3A_466 = tpu.assume_multiple %shift_left3A_465, 16 : i32
      %get3A_467 = arith.constant 18 : i32
      %get3A_468 = arith.index_cast %get3A_467 : i32 to index
      %get3A_469 = arith.index_cast %multiple_of3A_466 : i32 to index
      %get3A_470 = tpu.vector_load %arg6[%get3A_468, %get3A_469] {strides = array<i32>} : memref<128x128xf32, #tpu.memory_space<vmem>>, vector<1x16xf32>,
      %get3A_471 = vector.shape_cast %get3A_470 : vector<1x16xf32> to vector<16xf32>
      %swap3A_472 = arith.constant 0 : index
      %swap3A_473 = tpu.vector_load %arg7[%swap3A_472] {strides = array<i32>} : memref<16xf32, #tpu.memory_space<vmem>>, vector<16xf32>,
      %swap3A_474 = vector.shape_cast %swap3A_473 : vector<16xf32> to vector<16xf32>
      %swap3A_475 = vector.shape_cast %get3A_471 : vector<16xf32> to vector<16xf32>
      tpu.vector_store %arg7[%swap3A_472], %swap3A_475 {strides = array<i32>} : memref<16xf32, #tpu.memory_space<vmem>>, vector<16xf32>,
      %add3A_476 = arith.constant 2 : i32
      %add3A_477 = arith.addi %mul3A_4, %add3A_476 : i32
      %mul3A_478 = arith.constant 16 : i32
      %mul3A_479 = arith.muli %add3A_477, %mul3A_478 : i32
      "tpu.region"() ({
        %run_scoped3A = tpu.sem_alloc : memref<!tpu.dma_semaphore, #tpu.memory_space<semaphore_mem>>
        %dma_start3A_766 = tpu.memref_slice %arg4[%mul3A_479] : memref<2048xf32, #tpu.memory_space<hbm>> -> memref<16xf32, #tpu.memory_space<hbm>>
        %dma_start3A_767 = tpu.memref_slice %arg4[%mul3A_479] : memref<2048xf32, #tpu.memory_space<hbm>> -> memref<16xf32, #tpu.memory_space<hbm>>
        tpu.enqueue_dma source(%arg7 : memref<16xf32, #tpu.memory_space<vmem>>) target(%dma_start3A_767 : memref<16xf32, #tpu.memory_space<hbm>>) target_semaphore(%run_scoped3A : memref<!tpu.dma_semaphore, #tpu.memory_space<semaphore_mem>>)
        %dma_wait3A_768 = tpu.memref_slice %arg4[%mul3A_479] : memref<2048xf32, #tpu.memory_space<hbm>> -> memref<16xf32, #tpu.memory_space<hbm>>
        %dma_wait3A_769 = tpu.memref_slice %arg4[%mul3A_479] : memref<2048xf32, #tpu.memory_space<hbm>> -> memref<16xf32, #tpu.memory_space<hbm>>
        tpu.wait_dma2 semaphore(%run_scoped3A : memref<!tpu.dma_semaphore, #tpu.memory_space<semaphore_mem>>) src(%arg7 : memref<16xf32, #tpu.memory_space<vmem>>) dst(%dma_wait3A_769 : memref<16xf32, #tpu.memory_space<hbm>>)
        tpu.yield
      }) : () -> ()
      %slice3A_480 = vector.extract_strided_slice %get3A_6 {offsets = [3], sizes = [1], strides = [1]} : vector<16xi32> to vector<1xi32>
      %squeeze3A_481 = vector.extract %slice3A_480[0] : i32 from vector<1xi32>
      %and3A_482 = arith.constant 127 : i32
      %and3A_483 = arith.andi %squeeze3A_481, %and3A_482 : i32
      %shift_right_arithmetic3A_484 = arith.constant 4 : i32
      %shift_right_arithmetic3A_485 = arith.shrsi %and3A_483, %shift_right_arithmetic3A_484 : i32
      %shift_left3A_486 = arith.constant 4 : i32
      %shift_left3A_487 = arith.shli %shift_right_arithmetic3A_485, %shift_left3A_486 : i32
      %multiple_of3A_488 = tpu.assume_multiple %shift_left3A_487, 16 : i32
      %get3A_489 = arith.constant 27 : i32
      %get3A_490 = arith.index_cast %get3A_489 : i32 to index
      %get3A_491 = arith.index_cast %multiple_of3A_488 : i32 to index
      %get3A_492 = tpu.vector_load %arg6[%get3A_490, %get3A_491] {strides = array<i32>} : memref<128x128xf32, #tpu.memory_space<vmem>>, vector<1x16xf32>,
      %get3A_493 = vector.shape_cast %get3A_492 : vector<1x16xf32> to vector<16xf32>
      %swap3A_494 = arith.constant 0 : index
      %swap3A_495 = tpu.vector_load %arg7[%swap3A_494] {strides = array<i32>} : memref<16xf32, #tpu.memory_space<vmem>>, vector<16xf32>,
      %swap3A_496 = vector.shape_cast %swap3A_495 : vector<16xf32> to vector<16xf32>
      %swap3A_497 = vector.shape_cast %get3A_493 : vector<16xf32> to vector<16xf32>
      tpu.vector_store %arg7[%swap3A_494], %swap3A_497 {strides = array<i32>} : memref<16xf32, #tpu.memory_space<vmem>>, vector<16xf32>,
      %add3A_498 = arith.constant 3 : i32
      %add3A_499 = arith.addi %mul3A_4, %add3A_498 : i32
      %mul3A_500 = arith.constant 16 : i32
      %mul3A_501 = arith.muli %add3A_499, %mul3A_500 : i32
      "tpu.region"() ({
        %run_scoped3A = tpu.sem_alloc : memref<!tpu.dma_semaphore, #tpu.memory_space<semaphore_mem>>
        %dma_start3A_766 = tpu.memref_slice %arg4[%mul3A_501] : memref<2048xf32, #tpu.memory_space<hbm>> -> memref<16xf32, #tpu.memory_space<hbm>>
        %dma_start3A_767 = tpu.memref_slice %arg4[%mul3A_501] : memref<2048xf32, #tpu.memory_space<hbm>> -> memref<16xf32, #tpu.memory_space<hbm>>
        tpu.enqueue_dma source(%arg7 : memref<16xf32, #tpu.memory_space<vmem>>) target(%dma_start3A_767 : memref<16xf32, #tpu.memory_space<hbm>>) target_semaphore(%run_scoped3A : memref<!tpu.dma_semaphore, #tpu.memory_space<semaphore_mem>>)
        %dma_wait3A_768 = tpu.memref_slice %arg4[%mul3A_501] : memref<2048xf32, #tpu.memory_space<hbm>> -> memref<16xf32, #tpu.memory_space<hbm>>
        %dma_wait3A_769 = tpu.memref_slice %arg4[%mul3A_501] : memref<2048xf32, #tpu.memory_space<hbm>> -> memref<16xf32, #tpu.memory_space<hbm>>
        tpu.wait_dma2 semaphore(%run_scoped3A : memref<!tpu.dma_semaphore, #tpu.memory_space<semaphore_mem>>) src(%arg7 : memref<16xf32, #tpu.memory_space<vmem>>) dst(%dma_wait3A_769 : memref<16xf32, #tpu.memory_space<hbm>>)
        tpu.yield
      }) : () -> ()
      %slice3A_502 = vector.extract_strided_slice %get3A_6 {offsets = [4], sizes = [1], strides = [1]} : vector<16xi32> to vector<1xi32>
      %squeeze3A_503 = vector.extract %slice3A_502[0] : i32 from vector<1xi32>
      %and3A_504 = arith.constant 127 : i32
      %and3A_505 = arith.andi %squeeze3A_503, %and3A_504 : i32
      %shift_right_arithmetic3A_506 = arith.constant 4 : i32
      %shift_right_arithmetic3A_507 = arith.shrsi %and3A_505, %shift_right_arithmetic3A_506 : i32
      %shift_left3A_508 = arith.constant 4 : i32
      %shift_left3A_509 = arith.shli %shift_right_arithmetic3A_507, %shift_left3A_508 : i32
      %multiple_of3A_510 = tpu.assume_multiple %shift_left3A_509, 16 : i32
      %get3A_511 = arith.constant 36 : i32
      %get3A_512 = arith.index_cast %get3A_511 : i32 to index
      %get3A_513 = arith.index_cast %multiple_of3A_510 : i32 to index
      %get3A_514 = tpu.vector_load %arg6[%get3A_512, %get3A_513] {strides = array<i32>} : memref<128x128xf32, #tpu.memory_space<vmem>>, vector<1x16xf32>,
      %get3A_515 = vector.shape_cast %get3A_514 : vector<1x16xf32> to vector<16xf32>
      %swap3A_516 = arith.constant 0 : index
      %swap3A_517 = tpu.vector_load %arg7[%swap3A_516] {strides = array<i32>} : memref<16xf32, #tpu.memory_space<vmem>>, vector<16xf32>,
      %swap3A_518 = vector.shape_cast %swap3A_517 : vector<16xf32> to vector<16xf32>
      %swap3A_519 = vector.shape_cast %get3A_515 : vector<16xf32> to vector<16xf32>
      tpu.vector_store %arg7[%swap3A_516], %swap3A_519 {strides = array<i32>} : memref<16xf32, #tpu.memory_space<vmem>>, vector<16xf32>,
      %add3A_520 = arith.constant 4 : i32
      %add3A_521 = arith.addi %mul3A_4, %add3A_520 : i32
      %mul3A_522 = arith.constant 16 : i32
      %mul3A_523 = arith.muli %add3A_521, %mul3A_522 : i32
      "tpu.region"() ({
        %run_scoped3A = tpu.sem_alloc : memref<!tpu.dma_semaphore, #tpu.memory_space<semaphore_mem>>
        %dma_start3A_766 = tpu.memref_slice %arg4[%mul3A_523] : memref<2048xf32, #tpu.memory_space<hbm>> -> memref<16xf32, #tpu.memory_space<hbm>>
        %dma_start3A_767 = tpu.memref_slice %arg4[%mul3A_523] : memref<2048xf32, #tpu.memory_space<hbm>> -> memref<16xf32, #tpu.memory_space<hbm>>
        tpu.enqueue_dma source(%arg7 : memref<16xf32, #tpu.memory_space<vmem>>) target(%dma_start3A_767 : memref<16xf32, #tpu.memory_space<hbm>>) target_semaphore(%run_scoped3A : memref<!tpu.dma_semaphore, #tpu.memory_space<semaphore_mem>>)
        %dma_wait3A_768 = tpu.memref_slice %arg4[%mul3A_523] : memref<2048xf32, #tpu.memory_space<hbm>> -> memref<16xf32, #tpu.memory_space<hbm>>
        %dma_wait3A_769 = tpu.memref_slice %arg4[%mul3A_523] : memref<2048xf32, #tpu.memory_space<hbm>> -> memref<16xf32, #tpu.memory_space<hbm>>
        tpu.wait_dma2 semaphore(%run_scoped3A : memref<!tpu.dma_semaphore, #tpu.memory_space<semaphore_mem>>) src(%arg7 : memref<16xf32, #tpu.memory_space<vmem>>) dst(%dma_wait3A_769 : memref<16xf32, #tpu.memory_space<hbm>>)
        tpu.yield
      }) : () -> ()
      %slice3A_524 = vector.extract_strided_slice %get3A_6 {offsets = [5], sizes = [1], strides = [1]} : vector<16xi32> to vector<1xi32>
      %squeeze3A_525 = vector.extract %slice3A_524[0] : i32 from vector<1xi32>
      %and3A_526 = arith.constant 127 : i32
      %and3A_527 = arith.andi %squeeze3A_525, %and3A_526 : i32
      %shift_right_arithmetic3A_528 = arith.constant 4 : i32
      %shift_right_arithmetic3A_529 = arith.shrsi %and3A_527, %shift_right_arithmetic3A_528 : i32
      %shift_left3A_530 = arith.constant 4 : i32
      %shift_left3A_531 = arith.shli %shift_right_arithmetic3A_529, %shift_left3A_530 : i32
      %multiple_of3A_532 = tpu.assume_multiple %shift_left3A_531, 16 : i32
      %get3A_533 = arith.constant 45 : i32
      %get3A_534 = arith.index_cast %get3A_533 : i32 to index
      %get3A_535 = arith.index_cast %multiple_of3A_532 : i32 to index
      %get3A_536 = tpu.vector_load %arg6[%get3A_534, %get3A_535] {strides = array<i32>} : memref<128x128xf32, #tpu.memory_space<vmem>>, vector<1x16xf32>,
      %get3A_537 = vector.shape_cast %get3A_536 : vector<1x16xf32> to vector<16xf32>
      %swap3A_538 = arith.constant 0 : index
      %swap3A_539 = tpu.vector_load %arg7[%swap3A_538] {strides = array<i32>} : memref<16xf32, #tpu.memory_space<vmem>>, vector<16xf32>,
      %swap3A_540 = vector.shape_cast %swap3A_539 : vector<16xf32> to vector<16xf32>
      %swap3A_541 = vector.shape_cast %get3A_537 : vector<16xf32> to vector<16xf32>
      tpu.vector_store %arg7[%swap3A_538], %swap3A_541 {strides = array<i32>} : memref<16xf32, #tpu.memory_space<vmem>>, vector<16xf32>,
      %add3A_542 = arith.constant 5 : i32
      %add3A_543 = arith.addi %mul3A_4, %add3A_542 : i32
      %mul3A_544 = arith.constant 16 : i32
      %mul3A_545 = arith.muli %add3A_543, %mul3A_544 : i32
      "tpu.region"() ({
        %run_scoped3A = tpu.sem_alloc : memref<!tpu.dma_semaphore, #tpu.memory_space<semaphore_mem>>
        %dma_start3A_766 = tpu.memref_slice %arg4[%mul3A_545] : memref<2048xf32, #tpu.memory_space<hbm>> -> memref<16xf32, #tpu.memory_space<hbm>>
        %dma_start3A_767 = tpu.memref_slice %arg4[%mul3A_545] : memref<2048xf32, #tpu.memory_space<hbm>> -> memref<16xf32, #tpu.memory_space<hbm>>
        tpu.enqueue_dma source(%arg7 : memref<16xf32, #tpu.memory_space<vmem>>) target(%dma_start3A_767 : memref<16xf32, #tpu.memory_space<hbm>>) target_semaphore(%run_scoped3A : memref<!tpu.dma_semaphore, #tpu.memory_space<semaphore_mem>>)
        %dma_wait3A_768 = tpu.memref_slice %arg4[%mul3A_545] : memref<2048xf32, #tpu.memory_space<hbm>> -> memref<16xf32, #tpu.memory_space<hbm>>
        %dma_wait3A_769 = tpu.memref_slice %arg4[%mul3A_545] : memref<2048xf32, #tpu.memory_space<hbm>> -> memref<16xf32, #tpu.memory_space<hbm>>
        tpu.wait_dma2 semaphore(%run_scoped3A : memref<!tpu.dma_semaphore, #tpu.memory_space<semaphore_mem>>) src(%arg7 : memref<16xf32, #tpu.memory_space<vmem>>) dst(%dma_wait3A_769 : memref<16xf32, #tpu.memory_space<hbm>>)
        tpu.yield
      }) : () -> ()
      %slice3A_546 = vector.extract_strided_slice %get3A_6 {offsets = [6], sizes = [1], strides = [1]} : vector<16xi32> to vector<1xi32>
      %squeeze3A_547 = vector.extract %slice3A_546[0] : i32 from vector<1xi32>
      %and3A_548 = arith.constant 127 : i32
      %and3A_549 = arith.andi %squeeze3A_547, %and3A_548 : i32
      %shift_right_arithmetic3A_550 = arith.constant 4 : i32
      %shift_right_arithmetic3A_551 = arith.shrsi %and3A_549, %shift_right_arithmetic3A_550 : i32
      %shift_left3A_552 = arith.constant 4 : i32
      %shift_left3A_553 = arith.shli %shift_right_arithmetic3A_551, %shift_left3A_552 : i32
      %multiple_of3A_554 = tpu.assume_multiple %shift_left3A_553, 16 : i32
      %get3A_555 = arith.constant 54 : i32
      %get3A_556 = arith.index_cast %get3A_555 : i32 to index
      %get3A_557 = arith.index_cast %multiple_of3A_554 : i32 to index
      %get3A_558 = tpu.vector_load %arg6[%get3A_556, %get3A_557] {strides = array<i32>} : memref<128x128xf32, #tpu.memory_space<vmem>>, vector<1x16xf32>,
      %get3A_559 = vector.shape_cast %get3A_558 : vector<1x16xf32> to vector<16xf32>
      %swap3A_560 = arith.constant 0 : index
      %swap3A_561 = tpu.vector_load %arg7[%swap3A_560] {strides = array<i32>} : memref<16xf32, #tpu.memory_space<vmem>>, vector<16xf32>,
      %swap3A_562 = vector.shape_cast %swap3A_561 : vector<16xf32> to vector<16xf32>
      %swap3A_563 = vector.shape_cast %get3A_559 : vector<16xf32> to vector<16xf32>
      tpu.vector_store %arg7[%swap3A_560], %swap3A_563 {strides = array<i32>} : memref<16xf32, #tpu.memory_space<vmem>>, vector<16xf32>,
      %add3A_564 = arith.constant 6 : i32
      %add3A_565 = arith.addi %mul3A_4, %add3A_564 : i32
      %mul3A_566 = arith.constant 16 : i32
      %mul3A_567 = arith.muli %add3A_565, %mul3A_566 : i32
      "tpu.region"() ({
        %run_scoped3A = tpu.sem_alloc : memref<!tpu.dma_semaphore, #tpu.memory_space<semaphore_mem>>
        %dma_start3A_766 = tpu.memref_slice %arg4[%mul3A_567] : memref<2048xf32, #tpu.memory_space<hbm>> -> memref<16xf32, #tpu.memory_space<hbm>>
        %dma_start3A_767 = tpu.memref_slice %arg4[%mul3A_567] : memref<2048xf32, #tpu.memory_space<hbm>> -> memref<16xf32, #tpu.memory_space<hbm>>
        tpu.enqueue_dma source(%arg7 : memref<16xf32, #tpu.memory_space<vmem>>) target(%dma_start3A_767 : memref<16xf32, #tpu.memory_space<hbm>>) target_semaphore(%run_scoped3A : memref<!tpu.dma_semaphore, #tpu.memory_space<semaphore_mem>>)
        %dma_wait3A_768 = tpu.memref_slice %arg4[%mul3A_567] : memref<2048xf32, #tpu.memory_space<hbm>> -> memref<16xf32, #tpu.memory_space<hbm>>
        %dma_wait3A_769 = tpu.memref_slice %arg4[%mul3A_567] : memref<2048xf32, #tpu.memory_space<hbm>> -> memref<16xf32, #tpu.memory_space<hbm>>
        tpu.wait_dma2 semaphore(%run_scoped3A : memref<!tpu.dma_semaphore, #tpu.memory_space<semaphore_mem>>) src(%arg7 : memref<16xf32, #tpu.memory_space<vmem>>) dst(%dma_wait3A_769 : memref<16xf32, #tpu.memory_space<hbm>>)
        tpu.yield
      }) : () -> ()
      %slice3A_568 = vector.extract_strided_slice %get3A_6 {offsets = [7], sizes = [1], strides = [1]} : vector<16xi32> to vector<1xi32>
      %squeeze3A_569 = vector.extract %slice3A_568[0] : i32 from vector<1xi32>
      %and3A_570 = arith.constant 127 : i32
      %and3A_571 = arith.andi %squeeze3A_569, %and3A_570 : i32
      %shift_right_arithmetic3A_572 = arith.constant 4 : i32
      %shift_right_arithmetic3A_573 = arith.shrsi %and3A_571, %shift_right_arithmetic3A_572 : i32
      %shift_left3A_574 = arith.constant 4 : i32
      %shift_left3A_575 = arith.shli %shift_right_arithmetic3A_573, %shift_left3A_574 : i32
      %multiple_of3A_576 = tpu.assume_multiple %shift_left3A_575, 16 : i32
      %get3A_577 = arith.constant 63 : i32
      %get3A_578 = arith.index_cast %get3A_577 : i32 to index
      %get3A_579 = arith.index_cast %multiple_of3A_576 : i32 to index
      %get3A_580 = tpu.vector_load %arg6[%get3A_578, %get3A_579] {strides = array<i32>} : memref<128x128xf32, #tpu.memory_space<vmem>>, vector<1x16xf32>,
      %get3A_581 = vector.shape_cast %get3A_580 : vector<1x16xf32> to vector<16xf32>
      %swap3A_582 = arith.constant 0 : index
      %swap3A_583 = tpu.vector_load %arg7[%swap3A_582] {strides = array<i32>} : memref<16xf32, #tpu.memory_space<vmem>>, vector<16xf32>,
      %swap3A_584 = vector.shape_cast %swap3A_583 : vector<16xf32> to vector<16xf32>
      %swap3A_585 = vector.shape_cast %get3A_581 : vector<16xf32> to vector<16xf32>
      tpu.vector_store %arg7[%swap3A_582], %swap3A_585 {strides = array<i32>} : memref<16xf32, #tpu.memory_space<vmem>>, vector<16xf32>,
      %add3A_586 = arith.constant 7 : i32
      %add3A_587 = arith.addi %mul3A_4, %add3A_586 : i32
      %mul3A_588 = arith.constant 16 : i32
      %mul3A_589 = arith.muli %add3A_587, %mul3A_588 : i32
      "tpu.region"() ({
        %run_scoped3A = tpu.sem_alloc : memref<!tpu.dma_semaphore, #tpu.memory_space<semaphore_mem>>
        %dma_start3A_766 = tpu.memref_slice %arg4[%mul3A_589] : memref<2048xf32, #tpu.memory_space<hbm>> -> memref<16xf32, #tpu.memory_space<hbm>>
        %dma_start3A_767 = tpu.memref_slice %arg4[%mul3A_589] : memref<2048xf32, #tpu.memory_space<hbm>> -> memref<16xf32, #tpu.memory_space<hbm>>
        tpu.enqueue_dma source(%arg7 : memref<16xf32, #tpu.memory_space<vmem>>) target(%dma_start3A_767 : memref<16xf32, #tpu.memory_space<hbm>>) target_semaphore(%run_scoped3A : memref<!tpu.dma_semaphore, #tpu.memory_space<semaphore_mem>>)
        %dma_wait3A_768 = tpu.memref_slice %arg4[%mul3A_589] : memref<2048xf32, #tpu.memory_space<hbm>> -> memref<16xf32, #tpu.memory_space<hbm>>
        %dma_wait3A_769 = tpu.memref_slice %arg4[%mul3A_589] : memref<2048xf32, #tpu.memory_space<hbm>> -> memref<16xf32, #tpu.memory_space<hbm>>
        tpu.wait_dma2 semaphore(%run_scoped3A : memref<!tpu.dma_semaphore, #tpu.memory_space<semaphore_mem>>) src(%arg7 : memref<16xf32, #tpu.memory_space<vmem>>) dst(%dma_wait3A_769 : memref<16xf32, #tpu.memory_space<hbm>>)
        tpu.yield
      }) : () -> ()
      %slice3A_590 = vector.extract_strided_slice %get3A_6 {offsets = [8], sizes = [1], strides = [1]} : vector<16xi32> to vector<1xi32>
      %squeeze3A_591 = vector.extract %slice3A_590[0] : i32 from vector<1xi32>
      %and3A_592 = arith.constant 127 : i32
      %and3A_593 = arith.andi %squeeze3A_591, %and3A_592 : i32
      %shift_right_arithmetic3A_594 = arith.constant 4 : i32
      %shift_right_arithmetic3A_595 = arith.shrsi %and3A_593, %shift_right_arithmetic3A_594 : i32
      %shift_left3A_596 = arith.constant 4 : i32
      %shift_left3A_597 = arith.shli %shift_right_arithmetic3A_595, %shift_left3A_596 : i32
      %multiple_of3A_598 = tpu.assume_multiple %shift_left3A_597, 16 : i32
      %get3A_599 = arith.constant 64 : i32
      %get3A_600 = arith.index_cast %get3A_599 : i32 to index
      %get3A_601 = arith.index_cast %multiple_of3A_598 : i32 to index
      %get3A_602 = tpu.vector_load %arg6[%get3A_600, %get3A_601] {strides = array<i32>} : memref<128x128xf32, #tpu.memory_space<vmem>>, vector<1x16xf32>,
      %get3A_603 = vector.shape_cast %get3A_602 : vector<1x16xf32> to vector<16xf32>
      %swap3A_604 = arith.constant 0 : index
      %swap3A_605 = tpu.vector_load %arg7[%swap3A_604] {strides = array<i32>} : memref<16xf32, #tpu.memory_space<vmem>>, vector<16xf32>,
      %swap3A_606 = vector.shape_cast %swap3A_605 : vector<16xf32> to vector<16xf32>
      %swap3A_607 = vector.shape_cast %get3A_603 : vector<16xf32> to vector<16xf32>
      tpu.vector_store %arg7[%swap3A_604], %swap3A_607 {strides = array<i32>} : memref<16xf32, #tpu.memory_space<vmem>>, vector<16xf32>,
      %add3A_608 = arith.constant 8 : i32
      %add3A_609 = arith.addi %mul3A_4, %add3A_608 : i32
      %mul3A_610 = arith.constant 16 : i32
      %mul3A_611 = arith.muli %add3A_609, %mul3A_610 : i32
      "tpu.region"() ({
        %run_scoped3A = tpu.sem_alloc : memref<!tpu.dma_semaphore, #tpu.memory_space<semaphore_mem>>
        %dma_start3A_766 = tpu.memref_slice %arg4[%mul3A_611] : memref<2048xf32, #tpu.memory_space<hbm>> -> memref<16xf32, #tpu.memory_space<hbm>>
        %dma_start3A_767 = tpu.memref_slice %arg4[%mul3A_611] : memref<2048xf32, #tpu.memory_space<hbm>> -> memref<16xf32, #tpu.memory_space<hbm>>
        tpu.enqueue_dma source(%arg7 : memref<16xf32, #tpu.memory_space<vmem>>) target(%dma_start3A_767 : memref<16xf32, #tpu.memory_space<hbm>>) target_semaphore(%run_scoped3A : memref<!tpu.dma_semaphore, #tpu.memory_space<semaphore_mem>>)
        %dma_wait3A_768 = tpu.memref_slice %arg4[%mul3A_611] : memref<2048xf32, #tpu.memory_space<hbm>> -> memref<16xf32, #tpu.memory_space<hbm>>
        %dma_wait3A_769 = tpu.memref_slice %arg4[%mul3A_611] : memref<2048xf32, #tpu.memory_space<hbm>> -> memref<16xf32, #tpu.memory_space<hbm>>
        tpu.wait_dma2 semaphore(%run_scoped3A : memref<!tpu.dma_semaphore, #tpu.memory_space<semaphore_mem>>) src(%arg7 : memref<16xf32, #tpu.memory_space<vmem>>) dst(%dma_wait3A_769 : memref<16xf32, #tpu.memory_space<hbm>>)
        tpu.yield
      }) : () -> ()
      %slice3A_612 = vector.extract_strided_slice %get3A_6 {offsets = [9], sizes = [1], strides = [1]} : vector<16xi32> to vector<1xi32>
      %squeeze3A_613 = vector.extract %slice3A_612[0] : i32 from vector<1xi32>
      %and3A_614 = arith.constant 127 : i32
      %and3A_615 = arith.andi %squeeze3A_613, %and3A_614 : i32
      %shift_right_arithmetic3A_616 = arith.constant 4 : i32
      %shift_right_arithmetic3A_617 = arith.shrsi %and3A_615, %shift_right_arithmetic3A_616 : i32
      %shift_left3A_618 = arith.constant 4 : i32
      %shift_left3A_619 = arith.shli %shift_right_arithmetic3A_617, %shift_left3A_618 : i32
      %multiple_of3A_620 = tpu.assume_multiple %shift_left3A_619, 16 : i32
      %get3A_621 = arith.constant 73 : i32
      %get3A_622 = arith.index_cast %get3A_621 : i32 to index
      %get3A_623 = arith.index_cast %multiple_of3A_620 : i32 to index
      %get3A_624 = tpu.vector_load %arg6[%get3A_622, %get3A_623] {strides = array<i32>} : memref<128x128xf32, #tpu.memory_space<vmem>>, vector<1x16xf32>,
      %get3A_625 = vector.shape_cast %get3A_624 : vector<1x16xf32> to vector<16xf32>
      %swap3A_626 = arith.constant 0 : index
      %swap3A_627 = tpu.vector_load %arg7[%swap3A_626] {strides = array<i32>} : memref<16xf32, #tpu.memory_space<vmem>>, vector<16xf32>,
      %swap3A_628 = vector.shape_cast %swap3A_627 : vector<16xf32> to vector<16xf32>
      %swap3A_629 = vector.shape_cast %get3A_625 : vector<16xf32> to vector<16xf32>
      tpu.vector_store %arg7[%swap3A_626], %swap3A_629 {strides = array<i32>} : memref<16xf32, #tpu.memory_space<vmem>>, vector<16xf32>,
      %add3A_630 = arith.constant 9 : i32
      %add3A_631 = arith.addi %mul3A_4, %add3A_630 : i32
      %mul3A_632 = arith.constant 16 : i32
      %mul3A_633 = arith.muli %add3A_631, %mul3A_632 : i32
      "tpu.region"() ({
        %run_scoped3A = tpu.sem_alloc : memref<!tpu.dma_semaphore, #tpu.memory_space<semaphore_mem>>
        %dma_start3A_766 = tpu.memref_slice %arg4[%mul3A_633] : memref<2048xf32, #tpu.memory_space<hbm>> -> memref<16xf32, #tpu.memory_space<hbm>>
        %dma_start3A_767 = tpu.memref_slice %arg4[%mul3A_633] : memref<2048xf32, #tpu.memory_space<hbm>> -> memref<16xf32, #tpu.memory_space<hbm>>
        tpu.enqueue_dma source(%arg7 : memref<16xf32, #tpu.memory_space<vmem>>) target(%dma_start3A_767 : memref<16xf32, #tpu.memory_space<hbm>>) target_semaphore(%run_scoped3A : memref<!tpu.dma_semaphore, #tpu.memory_space<semaphore_mem>>)
        %dma_wait3A_768 = tpu.memref_slice %arg4[%mul3A_633] : memref<2048xf32, #tpu.memory_space<hbm>> -> memref<16xf32, #tpu.memory_space<hbm>>
        %dma_wait3A_769 = tpu.memref_slice %arg4[%mul3A_633] : memref<2048xf32, #tpu.memory_space<hbm>> -> memref<16xf32, #tpu.memory_space<hbm>>
        tpu.wait_dma2 semaphore(%run_scoped3A : memref<!tpu.dma_semaphore, #tpu.memory_space<semaphore_mem>>) src(%arg7 : memref<16xf32, #tpu.memory_space<vmem>>) dst(%dma_wait3A_769 : memref<16xf32, #tpu.memory_space<hbm>>)
        tpu.yield
      }) : () -> ()
      %slice3A_634 = vector.extract_strided_slice %get3A_6 {offsets = [10], sizes = [1], strides = [1]} : vector<16xi32> to vector<1xi32>
      %squeeze3A_635 = vector.extract %slice3A_634[0] : i32 from vector<1xi32>
      %and3A_636 = arith.constant 127 : i32
      %and3A_637 = arith.andi %squeeze3A_635, %and3A_636 : i32
      %shift_right_arithmetic3A_638 = arith.constant 4 : i32
      %shift_right_arithmetic3A_639 = arith.shrsi %and3A_637, %shift_right_arithmetic3A_638 : i32
      %shift_left3A_640 = arith.constant 4 : i32
      %shift_left3A_641 = arith.shli %shift_right_arithmetic3A_639, %shift_left3A_640 : i32
      %multiple_of3A_642 = tpu.assume_multiple %shift_left3A_641, 16 : i32
      %get3A_643 = arith.constant 82 : i32
      %get3A_644 = arith.index_cast %get3A_643 : i32 to index
      %get3A_645 = arith.index_cast %multiple_of3A_642 : i32 to index
      %get3A_646 = tpu.vector_load %arg6[%get3A_644, %get3A_645] {strides = array<i32>} : memref<128x128xf32, #tpu.memory_space<vmem>>, vector<1x16xf32>,
      %get3A_647 = vector.shape_cast %get3A_646 : vector<1x16xf32> to vector<16xf32>
      %swap3A_648 = arith.constant 0 : index
      %swap3A_649 = tpu.vector_load %arg7[%swap3A_648] {strides = array<i32>} : memref<16xf32, #tpu.memory_space<vmem>>, vector<16xf32>,
      %swap3A_650 = vector.shape_cast %swap3A_649 : vector<16xf32> to vector<16xf32>
      %swap3A_651 = vector.shape_cast %get3A_647 : vector<16xf32> to vector<16xf32>
      tpu.vector_store %arg7[%swap3A_648], %swap3A_651 {strides = array<i32>} : memref<16xf32, #tpu.memory_space<vmem>>, vector<16xf32>,
      %add3A_652 = arith.constant 10 : i32
      %add3A_653 = arith.addi %mul3A_4, %add3A_652 : i32
      %mul3A_654 = arith.constant 16 : i32
      %mul3A_655 = arith.muli %add3A_653, %mul3A_654 : i32
      "tpu.region"() ({
        %run_scoped3A = tpu.sem_alloc : memref<!tpu.dma_semaphore, #tpu.memory_space<semaphore_mem>>
        %dma_start3A_766 = tpu.memref_slice %arg4[%mul3A_655] : memref<2048xf32, #tpu.memory_space<hbm>> -> memref<16xf32, #tpu.memory_space<hbm>>
        %dma_start3A_767 = tpu.memref_slice %arg4[%mul3A_655] : memref<2048xf32, #tpu.memory_space<hbm>> -> memref<16xf32, #tpu.memory_space<hbm>>
        tpu.enqueue_dma source(%arg7 : memref<16xf32, #tpu.memory_space<vmem>>) target(%dma_start3A_767 : memref<16xf32, #tpu.memory_space<hbm>>) target_semaphore(%run_scoped3A : memref<!tpu.dma_semaphore, #tpu.memory_space<semaphore_mem>>)
        %dma_wait3A_768 = tpu.memref_slice %arg4[%mul3A_655] : memref<2048xf32, #tpu.memory_space<hbm>> -> memref<16xf32, #tpu.memory_space<hbm>>
        %dma_wait3A_769 = tpu.memref_slice %arg4[%mul3A_655] : memref<2048xf32, #tpu.memory_space<hbm>> -> memref<16xf32, #tpu.memory_space<hbm>>
        tpu.wait_dma2 semaphore(%run_scoped3A : memref<!tpu.dma_semaphore, #tpu.memory_space<semaphore_mem>>) src(%arg7 : memref<16xf32, #tpu.memory_space<vmem>>) dst(%dma_wait3A_769 : memref<16xf32, #tpu.memory_space<hbm>>)
        tpu.yield
      }) : () -> ()
      %slice3A_656 = vector.extract_strided_slice %get3A_6 {offsets = [11], sizes = [1], strides = [1]} : vector<16xi32> to vector<1xi32>
      %squeeze3A_657 = vector.extract %slice3A_656[0] : i32 from vector<1xi32>
      %and3A_658 = arith.constant 127 : i32
      %and3A_659 = arith.andi %squeeze3A_657, %and3A_658 : i32
      %shift_right_arithmetic3A_660 = arith.constant 4 : i32
      %shift_right_arithmetic3A_661 = arith.shrsi %and3A_659, %shift_right_arithmetic3A_660 : i32
      %shift_left3A_662 = arith.constant 4 : i32
      %shift_left3A_663 = arith.shli %shift_right_arithmetic3A_661, %shift_left3A_662 : i32
      %multiple_of3A_664 = tpu.assume_multiple %shift_left3A_663, 16 : i32
      %get3A_665 = arith.constant 91 : i32
      %get3A_666 = arith.index_cast %get3A_665 : i32 to index
      %get3A_667 = arith.index_cast %multiple_of3A_664 : i32 to index
      %get3A_668 = tpu.vector_load %arg6[%get3A_666, %get3A_667] {strides = array<i32>} : memref<128x128xf32, #tpu.memory_space<vmem>>, vector<1x16xf32>,
      %get3A_669 = vector.shape_cast %get3A_668 : vector<1x16xf32> to vector<16xf32>
      %swap3A_670 = arith.constant 0 : index
      %swap3A_671 = tpu.vector_load %arg7[%swap3A_670] {strides = array<i32>} : memref<16xf32, #tpu.memory_space<vmem>>, vector<16xf32>,
      %swap3A_672 = vector.shape_cast %swap3A_671 : vector<16xf32> to vector<16xf32>
      %swap3A_673 = vector.shape_cast %get3A_669 : vector<16xf32> to vector<16xf32>
      tpu.vector_store %arg7[%swap3A_670], %swap3A_673 {strides = array<i32>} : memref<16xf32, #tpu.memory_space<vmem>>, vector<16xf32>,
      %add3A_674 = arith.constant 11 : i32
      %add3A_675 = arith.addi %mul3A_4, %add3A_674 : i32
      %mul3A_676 = arith.constant 16 : i32
      %mul3A_677 = arith.muli %add3A_675, %mul3A_676 : i32
      "tpu.region"() ({
        %run_scoped3A = tpu.sem_alloc : memref<!tpu.dma_semaphore, #tpu.memory_space<semaphore_mem>>
        %dma_start3A_766 = tpu.memref_slice %arg4[%mul3A_677] : memref<2048xf32, #tpu.memory_space<hbm>> -> memref<16xf32, #tpu.memory_space<hbm>>
        %dma_start3A_767 = tpu.memref_slice %arg4[%mul3A_677] : memref<2048xf32, #tpu.memory_space<hbm>> -> memref<16xf32, #tpu.memory_space<hbm>>
        tpu.enqueue_dma source(%arg7 : memref<16xf32, #tpu.memory_space<vmem>>) target(%dma_start3A_767 : memref<16xf32, #tpu.memory_space<hbm>>) target_semaphore(%run_scoped3A : memref<!tpu.dma_semaphore, #tpu.memory_space<semaphore_mem>>)
        %dma_wait3A_768 = tpu.memref_slice %arg4[%mul3A_677] : memref<2048xf32, #tpu.memory_space<hbm>> -> memref<16xf32, #tpu.memory_space<hbm>>
        %dma_wait3A_769 = tpu.memref_slice %arg4[%mul3A_677] : memref<2048xf32, #tpu.memory_space<hbm>> -> memref<16xf32, #tpu.memory_space<hbm>>
        tpu.wait_dma2 semaphore(%run_scoped3A : memref<!tpu.dma_semaphore, #tpu.memory_space<semaphore_mem>>) src(%arg7 : memref<16xf32, #tpu.memory_space<vmem>>) dst(%dma_wait3A_769 : memref<16xf32, #tpu.memory_space<hbm>>)
        tpu.yield
      }) : () -> ()
      %slice3A_678 = vector.extract_strided_slice %get3A_6 {offsets = [12], sizes = [1], strides = [1]} : vector<16xi32> to vector<1xi32>
      %squeeze3A_679 = vector.extract %slice3A_678[0] : i32 from vector<1xi32>
      %and3A_680 = arith.constant 127 : i32
      %and3A_681 = arith.andi %squeeze3A_679, %and3A_680 : i32
      %shift_right_arithmetic3A_682 = arith.constant 4 : i32
      %shift_right_arithmetic3A_683 = arith.shrsi %and3A_681, %shift_right_arithmetic3A_682 : i32
      %shift_left3A_684 = arith.constant 4 : i32
      %shift_left3A_685 = arith.shli %shift_right_arithmetic3A_683, %shift_left3A_684 : i32
      %multiple_of3A_686 = tpu.assume_multiple %shift_left3A_685, 16 : i32
      %get3A_687 = arith.constant 100 : i32
      %get3A_688 = arith.index_cast %get3A_687 : i32 to index
      %get3A_689 = arith.index_cast %multiple_of3A_686 : i32 to index
      %get3A_690 = tpu.vector_load %arg6[%get3A_688, %get3A_689] {strides = array<i32>} : memref<128x128xf32, #tpu.memory_space<vmem>>, vector<1x16xf32>,
      %get3A_691 = vector.shape_cast %get3A_690 : vector<1x16xf32> to vector<16xf32>
      %swap3A_692 = arith.constant 0 : index
      %swap3A_693 = tpu.vector_load %arg7[%swap3A_692] {strides = array<i32>} : memref<16xf32, #tpu.memory_space<vmem>>, vector<16xf32>,
      %swap3A_694 = vector.shape_cast %swap3A_693 : vector<16xf32> to vector<16xf32>
      %swap3A_695 = vector.shape_cast %get3A_691 : vector<16xf32> to vector<16xf32>
      tpu.vector_store %arg7[%swap3A_692], %swap3A_695 {strides = array<i32>} : memref<16xf32, #tpu.memory_space<vmem>>, vector<16xf32>,
      %add3A_696 = arith.constant 12 : i32
      %add3A_697 = arith.addi %mul3A_4, %add3A_696 : i32
      %mul3A_698 = arith.constant 16 : i32
      %mul3A_699 = arith.muli %add3A_697, %mul3A_698 : i32
      "tpu.region"() ({
        %run_scoped3A = tpu.sem_alloc : memref<!tpu.dma_semaphore, #tpu.memory_space<semaphore_mem>>
        %dma_start3A_766 = tpu.memref_slice %arg4[%mul3A_699] : memref<2048xf32, #tpu.memory_space<hbm>> -> memref<16xf32, #tpu.memory_space<hbm>>
        %dma_start3A_767 = tpu.memref_slice %arg4[%mul3A_699] : memref<2048xf32, #tpu.memory_space<hbm>> -> memref<16xf32, #tpu.memory_space<hbm>>
        tpu.enqueue_dma source(%arg7 : memref<16xf32, #tpu.memory_space<vmem>>) target(%dma_start3A_767 : memref<16xf32, #tpu.memory_space<hbm>>) target_semaphore(%run_scoped3A : memref<!tpu.dma_semaphore, #tpu.memory_space<semaphore_mem>>)
        %dma_wait3A_768 = tpu.memref_slice %arg4[%mul3A_699] : memref<2048xf32, #tpu.memory_space<hbm>> -> memref<16xf32, #tpu.memory_space<hbm>>
        %dma_wait3A_769 = tpu.memref_slice %arg4[%mul3A_699] : memref<2048xf32, #tpu.memory_space<hbm>> -> memref<16xf32, #tpu.memory_space<hbm>>
        tpu.wait_dma2 semaphore(%run_scoped3A : memref<!tpu.dma_semaphore, #tpu.memory_space<semaphore_mem>>) src(%arg7 : memref<16xf32, #tpu.memory_space<vmem>>) dst(%dma_wait3A_769 : memref<16xf32, #tpu.memory_space<hbm>>)
        tpu.yield
      }) : () -> ()
      %slice3A_700 = vector.extract_strided_slice %get3A_6 {offsets = [13], sizes = [1], strides = [1]} : vector<16xi32> to vector<1xi32>
      %squeeze3A_701 = vector.extract %slice3A_700[0] : i32 from vector<1xi32>
      %and3A_702 = arith.constant 127 : i32
      %and3A_703 = arith.andi %squeeze3A_701, %and3A_702 : i32
      %shift_right_arithmetic3A_704 = arith.constant 4 : i32
      %shift_right_arithmetic3A_705 = arith.shrsi %and3A_703, %shift_right_arithmetic3A_704 : i32
      %shift_left3A_706 = arith.constant 4 : i32
      %shift_left3A_707 = arith.shli %shift_right_arithmetic3A_705, %shift_left3A_706 : i32
      %multiple_of3A_708 = tpu.assume_multiple %shift_left3A_707, 16 : i32
      %get3A_709 = arith.constant 109 : i32
      %get3A_710 = arith.index_cast %get3A_709 : i32 to index
      %get3A_711 = arith.index_cast %multiple_of3A_708 : i32 to index
      %get3A_712 = tpu.vector_load %arg6[%get3A_710, %get3A_711] {strides = array<i32>} : memref<128x128xf32, #tpu.memory_space<vmem>>, vector<1x16xf32>,
      %get3A_713 = vector.shape_cast %get3A_712 : vector<1x16xf32> to vector<16xf32>
      %swap3A_714 = arith.constant 0 : index
      %swap3A_715 = tpu.vector_load %arg7[%swap3A_714] {strides = array<i32>} : memref<16xf32, #tpu.memory_space<vmem>>, vector<16xf32>,
      %swap3A_716 = vector.shape_cast %swap3A_715 : vector<16xf32> to vector<16xf32>
      %swap3A_717 = vector.shape_cast %get3A_713 : vector<16xf32> to vector<16xf32>
      tpu.vector_store %arg7[%swap3A_714], %swap3A_717 {strides = array<i32>} : memref<16xf32, #tpu.memory_space<vmem>>, vector<16xf32>,
      %add3A_718 = arith.constant 13 : i32
      %add3A_719 = arith.addi %mul3A_4, %add3A_718 : i32
      %mul3A_720 = arith.constant 16 : i32
      %mul3A_721 = arith.muli %add3A_719, %mul3A_720 : i32
      "tpu.region"() ({
        %run_scoped3A = tpu.sem_alloc : memref<!tpu.dma_semaphore, #tpu.memory_space<semaphore_mem>>
        %dma_start3A_766 = tpu.memref_slice %arg4[%mul3A_721] : memref<2048xf32, #tpu.memory_space<hbm>> -> memref<16xf32, #tpu.memory_space<hbm>>
        %dma_start3A_767 = tpu.memref_slice %arg4[%mul3A_721] : memref<2048xf32, #tpu.memory_space<hbm>> -> memref<16xf32, #tpu.memory_space<hbm>>
        tpu.enqueue_dma source(%arg7 : memref<16xf32, #tpu.memory_space<vmem>>) target(%dma_start3A_767 : memref<16xf32, #tpu.memory_space<hbm>>) target_semaphore(%run_scoped3A : memref<!tpu.dma_semaphore, #tpu.memory_space<semaphore_mem>>)
        %dma_wait3A_768 = tpu.memref_slice %arg4[%mul3A_721] : memref<2048xf32, #tpu.memory_space<hbm>> -> memref<16xf32, #tpu.memory_space<hbm>>
        %dma_wait3A_769 = tpu.memref_slice %arg4[%mul3A_721] : memref<2048xf32, #tpu.memory_space<hbm>> -> memref<16xf32, #tpu.memory_space<hbm>>
        tpu.wait_dma2 semaphore(%run_scoped3A : memref<!tpu.dma_semaphore, #tpu.memory_space<semaphore_mem>>) src(%arg7 : memref<16xf32, #tpu.memory_space<vmem>>) dst(%dma_wait3A_769 : memref<16xf32, #tpu.memory_space<hbm>>)
        tpu.yield
      }) : () -> ()
      %slice3A_722 = vector.extract_strided_slice %get3A_6 {offsets = [14], sizes = [1], strides = [1]} : vector<16xi32> to vector<1xi32>
      %squeeze3A_723 = vector.extract %slice3A_722[0] : i32 from vector<1xi32>
      %and3A_724 = arith.constant 127 : i32
      %and3A_725 = arith.andi %squeeze3A_723, %and3A_724 : i32
      %shift_right_arithmetic3A_726 = arith.constant 4 : i32
      %shift_right_arithmetic3A_727 = arith.shrsi %and3A_725, %shift_right_arithmetic3A_726 : i32
      %shift_left3A_728 = arith.constant 4 : i32
      %shift_left3A_729 = arith.shli %shift_right_arithmetic3A_727, %shift_left3A_728 : i32
      %multiple_of3A_730 = tpu.assume_multiple %shift_left3A_729, 16 : i32
      %get3A_731 = arith.constant 118 : i32
      %get3A_732 = arith.index_cast %get3A_731 : i32 to index
      %get3A_733 = arith.index_cast %multiple_of3A_730 : i32 to index
      %get3A_734 = tpu.vector_load %arg6[%get3A_732, %get3A_733] {strides = array<i32>} : memref<128x128xf32, #tpu.memory_space<vmem>>, vector<1x16xf32>,
      %get3A_735 = vector.shape_cast %get3A_734 : vector<1x16xf32> to vector<16xf32>
      %swap3A_736 = arith.constant 0 : index
      %swap3A_737 = tpu.vector_load %arg7[%swap3A_736] {strides = array<i32>} : memref<16xf32, #tpu.memory_space<vmem>>, vector<16xf32>,
      %swap3A_738 = vector.shape_cast %swap3A_737 : vector<16xf32> to vector<16xf32>
      %swap3A_739 = vector.shape_cast %get3A_735 : vector<16xf32> to vector<16xf32>
      tpu.vector_store %arg7[%swap3A_736], %swap3A_739 {strides = array<i32>} : memref<16xf32, #tpu.memory_space<vmem>>, vector<16xf32>,
      %add3A_740 = arith.constant 14 : i32
      %add3A_741 = arith.addi %mul3A_4, %add3A_740 : i32
      %mul3A_742 = arith.constant 16 : i32
      %mul3A_743 = arith.muli %add3A_741, %mul3A_742 : i32
      "tpu.region"() ({
        %run_scoped3A = tpu.sem_alloc : memref<!tpu.dma_semaphore, #tpu.memory_space<semaphore_mem>>
        %dma_start3A_766 = tpu.memref_slice %arg4[%mul3A_743] : memref<2048xf32, #tpu.memory_space<hbm>> -> memref<16xf32, #tpu.memory_space<hbm>>
        %dma_start3A_767 = tpu.memref_slice %arg4[%mul3A_743] : memref<2048xf32, #tpu.memory_space<hbm>> -> memref<16xf32, #tpu.memory_space<hbm>>
        tpu.enqueue_dma source(%arg7 : memref<16xf32, #tpu.memory_space<vmem>>) target(%dma_start3A_767 : memref<16xf32, #tpu.memory_space<hbm>>) target_semaphore(%run_scoped3A : memref<!tpu.dma_semaphore, #tpu.memory_space<semaphore_mem>>)
        %dma_wait3A_768 = tpu.memref_slice %arg4[%mul3A_743] : memref<2048xf32, #tpu.memory_space<hbm>> -> memref<16xf32, #tpu.memory_space<hbm>>
        %dma_wait3A_769 = tpu.memref_slice %arg4[%mul3A_743] : memref<2048xf32, #tpu.memory_space<hbm>> -> memref<16xf32, #tpu.memory_space<hbm>>
        tpu.wait_dma2 semaphore(%run_scoped3A : memref<!tpu.dma_semaphore, #tpu.memory_space<semaphore_mem>>) src(%arg7 : memref<16xf32, #tpu.memory_space<vmem>>) dst(%dma_wait3A_769 : memref<16xf32, #tpu.memory_space<hbm>>)
        tpu.yield
      }) : () -> ()
      %slice3A_744 = vector.extract_strided_slice %get3A_6 {offsets = [15], sizes = [1], strides = [1]} : vector<16xi32> to vector<1xi32>
      %squeeze3A_745 = vector.extract %slice3A_744[0] : i32 from vector<1xi32>
      %and3A_746 = arith.constant 127 : i32
      %and3A_747 = arith.andi %squeeze3A_745, %and3A_746 : i32
      %shift_right_arithmetic3A_748 = arith.constant 4 : i32
      %shift_right_arithmetic3A_749 = arith.shrsi %and3A_747, %shift_right_arithmetic3A_748 : i32
      %shift_left3A_750 = arith.constant 4 : i32
      %shift_left3A_751 = arith.shli %shift_right_arithmetic3A_749, %shift_left3A_750 : i32
      %multiple_of3A_752 = tpu.assume_multiple %shift_left3A_751, 16 : i32
      %get3A_753 = arith.constant 127 : i32
      %get3A_754 = arith.index_cast %get3A_753 : i32 to index
      %get3A_755 = arith.index_cast %multiple_of3A_752 : i32 to index
      %get3A_756 = tpu.vector_load %arg6[%get3A_754, %get3A_755] {strides = array<i32>} : memref<128x128xf32, #tpu.memory_space<vmem>>, vector<1x16xf32>,
      %get3A_757 = vector.shape_cast %get3A_756 : vector<1x16xf32> to vector<16xf32>
      %swap3A_758 = arith.constant 0 : index
      %swap3A_759 = tpu.vector_load %arg7[%swap3A_758] {strides = array<i32>} : memref<16xf32, #tpu.memory_space<vmem>>, vector<16xf32>,
      %swap3A_760 = vector.shape_cast %swap3A_759 : vector<16xf32> to vector<16xf32>
      %swap3A_761 = vector.shape_cast %get3A_757 : vector<16xf32> to vector<16xf32>
      tpu.vector_store %arg7[%swap3A_758], %swap3A_761 {strides = array<i32>} : memref<16xf32, #tpu.memory_space<vmem>>, vector<16xf32>,
      %add3A_762 = arith.constant 15 : i32
      %add3A_763 = arith.addi %mul3A_4, %add3A_762 : i32
      %mul3A_764 = arith.constant 16 : i32
      %mul3A_765 = arith.muli %add3A_763, %mul3A_764 : i32
      "tpu.region"() ({
        %run_scoped3A = tpu.sem_alloc : memref<!tpu.dma_semaphore, #tpu.memory_space<semaphore_mem>>
        %dma_start3A_766 = tpu.memref_slice %arg4[%mul3A_765] : memref<2048xf32, #tpu.memory_space<hbm>> -> memref<16xf32, #tpu.memory_space<hbm>>
        %dma_start3A_767 = tpu.memref_slice %arg4[%mul3A_765] : memref<2048xf32, #tpu.memory_space<hbm>> -> memref<16xf32, #tpu.memory_space<hbm>>
        tpu.enqueue_dma source(%arg7 : memref<16xf32, #tpu.memory_space<vmem>>) target(%dma_start3A_767 : memref<16xf32, #tpu.memory_space<hbm>>) target_semaphore(%run_scoped3A : memref<!tpu.dma_semaphore, #tpu.memory_space<semaphore_mem>>)
        %dma_wait3A_768 = tpu.memref_slice %arg4[%mul3A_765] : memref<2048xf32, #tpu.memory_space<hbm>> -> memref<16xf32, #tpu.memory_space<hbm>>
        %dma_wait3A_769 = tpu.memref_slice %arg4[%mul3A_765] : memref<2048xf32, #tpu.memory_space<hbm>> -> memref<16xf32, #tpu.memory_space<hbm>>
        tpu.wait_dma2 semaphore(%run_scoped3A : memref<!tpu.dma_semaphore, #tpu.memory_space<semaphore_mem>>) src(%arg7 : memref<16xf32, #tpu.memory_space<vmem>>) dst(%dma_wait3A_769 : memref<16xf32, #tpu.memory_space<hbm>>)
        tpu.yield
      }) : () -> ()
    } else {
    }
    return
  }
}

module attributes {stable_mosaic.version = 14 : i64} {
  func.func @_count_body(%arg0: i32, %arg1: memref<16x16xf32, #tpu.memory_space<vmem>>, %arg2: memref<16x1xi32, #tpu.memory_space<vmem>>, %arg3: memref<128x100000xf32, #tpu.memory_space<hbm>>, %arg4: memref<1x1xf32, #tpu.memory_space<vmem>>, %arg5: memref<1x1xf32, #tpu.memory_space<vmem>>, %arg6: memref<3x16x100000xf32, #tpu.memory_space<vmem>>, %arg7: memref<3x!tpu.dma_semaphore, #tpu.memory_space<semaphore_mem>>) attributes {dimension_semantics = [#tpu.dimension_semantics<arbitrary>], iteration_bounds = array<i64: 8>, scalar_prefetch = 0 : i64, scratch_operands = 2 : i64, tpu.core_type = #tpu.core_type<tc>, window_params = [{transform_indices = @transform_0, window_bounds = array<i64: 16, 16>}, {transform_indices = @transform_1, window_bounds = array<i64: 16, 1>}, {}, {pipeline_mode = #tpu.pipeline_mode<synchronous>, transform_indices = @transform_3, window_bounds = array<i64: 1, 1>}, {pipeline_mode = #tpu.pipeline_mode<synchronous>, transform_indices = @transform_4, window_bounds = array<i64: 1, 1>}]} {
    %eq3A = arith.constant 0 : i32
    %eq3A_0 = arith.cmpi eq, %arg0, %eq3A : i32
    %convert_element_type3A = arith.extui %eq3A_0 : i1 to i32
    %cond3A = arith.constant 0 : i32
    %cond3A_1 = arith.cmpi ne, %convert_element_type3A, %cond3A : i32
    scf.if %cond3A_1 {
      %broadcast_in_dim3A_95 = arith.constant 0.000000e+00 : f32
      %broadcast_in_dim3A_96 = vector.broadcast %broadcast_in_dim3A_95 : f32 to vector<1x1xf32>
      %swap3A_97 = arith.constant 0 : index
      %swap3A_98 = arith.constant 0 : index
      %swap3A_99 = vector.load %arg4[%swap3A_97, %swap3A_98] : memref<1x1xf32, #tpu.memory_space<vmem>>, vector<1x1xf32>
      tpu.vector_store %arg4[%swap3A_97, %swap3A_98], %broadcast_in_dim3A_96 {strides = array<i32>} : memref<1x1xf32, #tpu.memory_space<vmem>>, vector<1x1xf32>,
      %broadcast_in_dim3A_100 = arith.constant 0.000000e+00 : f32
      %broadcast_in_dim3A_101 = vector.broadcast %broadcast_in_dim3A_100 : f32 to vector<1x1xf32>
      %swap3A_102 = arith.constant 0 : index
      %swap3A_103 = arith.constant 0 : index
      %swap3A_104 = vector.load %arg5[%swap3A_102, %swap3A_103] : memref<1x1xf32, #tpu.memory_space<vmem>>, vector<1x1xf32>
      tpu.vector_store %arg5[%swap3A_102, %swap3A_103], %broadcast_in_dim3A_101 {strides = array<i32>} : memref<1x1xf32, #tpu.memory_space<vmem>>, vector<1x1xf32>,
      %dma_start3A = arith.constant 0 : i32
      %dma_start3A_105 = arith.constant 0 : i32
      %dma_start3A_106 = tpu.memref_slice %arg7[%dma_start3A_105] : memref<3x!tpu.dma_semaphore, #tpu.memory_space<semaphore_mem>> -> memref<1x!tpu.dma_semaphore, #tpu.memory_space<semaphore_mem>>
      %dma_start3A_107 = tpu.memref_squeeze %dma_start3A_106 : memref<1x!tpu.dma_semaphore, #tpu.memory_space<semaphore_mem>> -> memref<!tpu.dma_semaphore, #tpu.memory_space<semaphore_mem>>
      %dma_start3A_108 = arith.constant 0 : i32
      %dma_start3A_109 = arith.constant 0 : i32
      %dma_start3A_110 = tpu.memref_slice %arg6[%dma_start3A, %dma_start3A_108, %dma_start3A_109] : memref<3x16x100000xf32, #tpu.memory_space<vmem>> -> memref<1x16x100000xf32, #tpu.memory_space<vmem>>
      %dma_start3A_111 = tpu.memref_squeeze %dma_start3A_110 : memref<1x16x100000xf32, #tpu.memory_space<vmem>> -> memref<16x100000xf32, #tpu.memory_space<vmem>>
      %dma_start3A_112 = arith.constant 0 : i32
      %dma_start3A_113 = arith.constant 0 : i32
      %dma_start3A_114 = tpu.memref_slice %arg3[%dma_start3A_112, %dma_start3A_113] : memref<128x100000xf32, #tpu.memory_space<hbm>> -> memref<16x100000xf32, #tpu.memory_space<hbm>>
      tpu.enqueue_dma source(%dma_start3A_114 : memref<16x100000xf32, #tpu.memory_space<hbm>>) target(%dma_start3A_111 : memref<16x100000xf32, #tpu.memory_space<vmem>>) target_semaphore(%dma_start3A_107 : memref<!tpu.dma_semaphore, #tpu.memory_space<semaphore_mem>>)
      %dma_start3A_115 = arith.constant 1 : i32
      %dma_start3A_116 = arith.constant 1 : i32
      %dma_start3A_117 = tpu.memref_slice %arg7[%dma_start3A_116] : memref<3x!tpu.dma_semaphore, #tpu.memory_space<semaphore_mem>> -> memref<1x!tpu.dma_semaphore, #tpu.memory_space<semaphore_mem>>
      %dma_start3A_118 = tpu.memref_squeeze %dma_start3A_117 : memref<1x!tpu.dma_semaphore, #tpu.memory_space<semaphore_mem>> -> memref<!tpu.dma_semaphore, #tpu.memory_space<semaphore_mem>>
      %dma_start3A_119 = arith.constant 0 : i32
      %dma_start3A_120 = arith.constant 0 : i32
      %dma_start3A_121 = tpu.memref_slice %arg6[%dma_start3A_115, %dma_start3A_119, %dma_start3A_120] : memref<3x16x100000xf32, #tpu.memory_space<vmem>> -> memref<1x16x100000xf32, #tpu.memory_space<vmem>>
      %dma_start3A_122 = tpu.memref_squeeze %dma_start3A_121 : memref<1x16x100000xf32, #tpu.memory_space<vmem>> -> memref<16x100000xf32, #tpu.memory_space<vmem>>
      %dma_start3A_123 = arith.constant 16 : i32
      %dma_start3A_124 = arith.constant 0 : i32
      %dma_start3A_125 = tpu.memref_slice %arg3[%dma_start3A_123, %dma_start3A_124] : memref<128x100000xf32, #tpu.memory_space<hbm>> -> memref<16x100000xf32, #tpu.memory_space<hbm>>
      tpu.enqueue_dma source(%dma_start3A_125 : memref<16x100000xf32, #tpu.memory_space<hbm>>) target(%dma_start3A_122 : memref<16x100000xf32, #tpu.memory_space<vmem>>) target_semaphore(%dma_start3A_118 : memref<!tpu.dma_semaphore, #tpu.memory_space<semaphore_mem>>)
    } else {
    }
    %add3A = arith.constant 3 : i32
    %add3A_2 = arith.addi %arg0, %add3A : i32
    %sub3A = arith.constant 1 : i32
    %sub3A_3 = arith.subi %add3A_2, %sub3A : i32
    %lt3A = arith.constant 8 : i32
    %lt3A_4 = arith.cmpi slt, %sub3A_3, %lt3A : i32
    %convert_element_type3A_5 = arith.extui %lt3A_4 : i1 to i32
    %cond3A_6 = arith.constant 0 : i32
    %cond3A_7 = arith.cmpi ne, %convert_element_type3A_5, %cond3A_6 : i32
    scf.if %cond3A_7 {
      %jit3A_95 = arith.constant 3 : i64
      %convert_element_type3A_96 = arith.trunci %jit3A_95 : i64 to i32
      %eq3A_97 = arith.constant 0 : i32
      %eq3A_98 = arith.cmpi eq, %convert_element_type3A_96, %eq3A_97 : i32
      %jit3A_99 = arith.constant 1 : i32
      %select_n3A_100 = arith.select %eq3A_98, %jit3A_99, %convert_element_type3A_96 : i32
      %rem3A_101 = arith.remsi %sub3A_3, %select_n3A_100 : i32
      %ne3A_102 = arith.constant 0 : i32
      %ne3A_103 = arith.cmpi ne, %rem3A_101, %ne3A_102 : i32
      %lt3A_104 = arith.constant 0 : i32
      %lt3A_105 = arith.cmpi slt, %rem3A_101, %lt3A_104 : i32
      %lt3A_106 = arith.constant 0 : i32
      %lt3A_107 = arith.cmpi slt, %select_n3A_100, %lt3A_106 : i32
      %ne3A_108 = arith.xori %lt3A_105, %lt3A_107 : i1
      %and3A_109 = arith.andi %ne3A_108, %ne3A_103 : i1
      %add3A_110 = arith.addi %rem3A_101, %select_n3A_100 : i32
      %select_n3A_111 = arith.select %and3A_109, %add3A_110, %rem3A_101 : i32
      %mul3A_112 = arith.constant 16 : i32
      %mul3A_113 = arith.muli %sub3A_3, %mul3A_112 : i32
      %dma_start3A = tpu.memref_slice %arg7[%select_n3A_111] : memref<3x!tpu.dma_semaphore, #tpu.memory_space<semaphore_mem>> -> memref<1x!tpu.dma_semaphore, #tpu.memory_space<semaphore_mem>>
      %dma_start3A_114 = tpu.memref_squeeze %dma_start3A : memref<1x!tpu.dma_semaphore, #tpu.memory_space<semaphore_mem>> -> memref<!tpu.dma_semaphore, #tpu.memory_space<semaphore_mem>>
      %dma_start3A_115 = arith.constant 0 : i32
      %dma_start3A_116 = arith.constant 0 : i32
      %dma_start3A_117 = tpu.memref_slice %arg6[%select_n3A_111, %dma_start3A_115, %dma_start3A_116] : memref<3x16x100000xf32, #tpu.memory_space<vmem>> -> memref<1x16x100000xf32, #tpu.memory_space<vmem>>
      %dma_start3A_118 = tpu.memref_squeeze %dma_start3A_117 : memref<1x16x100000xf32, #tpu.memory_space<vmem>> -> memref<16x100000xf32, #tpu.memory_space<vmem>>
      %dma_start3A_119 = arith.constant 0 : i32
      %dma_start3A_120 = tpu.memref_slice %arg3[%mul3A_113, %dma_start3A_119] : memref<128x100000xf32, #tpu.memory_space<hbm>> -> memref<16x100000xf32, #tpu.memory_space<hbm>>
      tpu.enqueue_dma source(%dma_start3A_120 : memref<16x100000xf32, #tpu.memory_space<hbm>>) target(%dma_start3A_118 : memref<16x100000xf32, #tpu.memory_space<vmem>>) target_semaphore(%dma_start3A_114 : memref<!tpu.dma_semaphore, #tpu.memory_space<semaphore_mem>>)
    } else {
    }
    %jit3A = arith.constant 3 : i64
    %convert_element_type3A_8 = arith.trunci %jit3A : i64 to i32
    %eq3A_9 = arith.constant 0 : i32
    %eq3A_10 = arith.cmpi eq, %convert_element_type3A_8, %eq3A_9 : i32
    %jit3A_11 = arith.constant 1 : i32
    %select_n3A = arith.select %eq3A_10, %jit3A_11, %convert_element_type3A_8 : i32
    %rem3A = arith.remsi %arg0, %select_n3A : i32
    %ne3A = arith.constant 0 : i32
    %ne3A_12 = arith.cmpi ne, %rem3A, %ne3A : i32
    %lt3A_13 = arith.constant 0 : i32
    %lt3A_14 = arith.cmpi slt, %rem3A, %lt3A_13 : i32
    %lt3A_15 = arith.constant 0 : i32
    %lt3A_16 = arith.cmpi slt, %select_n3A, %lt3A_15 : i32
    %ne3A_17 = arith.xori %lt3A_14, %lt3A_16 : i1
    %and3A = arith.andi %ne3A_17, %ne3A_12 : i1
    %add3A_18 = arith.addi %rem3A, %select_n3A : i32
    %select_n3A_19 = arith.select %and3A, %add3A_18, %rem3A : i32
    %mul3A = arith.constant 16 : i32
    %mul3A_20 = arith.muli %arg0, %mul3A : i32
    %dma_wait3A = tpu.memref_slice %arg7[%select_n3A_19] : memref<3x!tpu.dma_semaphore, #tpu.memory_space<semaphore_mem>> -> memref<1x!tpu.dma_semaphore, #tpu.memory_space<semaphore_mem>>
    %dma_wait3A_21 = tpu.memref_squeeze %dma_wait3A : memref<1x!tpu.dma_semaphore, #tpu.memory_space<semaphore_mem>> -> memref<!tpu.dma_semaphore, #tpu.memory_space<semaphore_mem>>
    %dma_wait3A_22 = arith.constant 0 : i32
    %dma_wait3A_23 = arith.constant 0 : i32
    %dma_wait3A_24 = tpu.memref_slice %arg6[%select_n3A_19, %dma_wait3A_22, %dma_wait3A_23] : memref<3x16x100000xf32, #tpu.memory_space<vmem>> -> memref<1x16x100000xf32, #tpu.memory_space<vmem>>
    %dma_wait3A_25 = tpu.memref_squeeze %dma_wait3A_24 : memref<1x16x100000xf32, #tpu.memory_space<vmem>> -> memref<16x100000xf32, #tpu.memory_space<vmem>>
    %dma_wait3A_26 = arith.constant 0 : i32
    %dma_wait3A_27 = tpu.memref_slice %arg3[%mul3A_20, %dma_wait3A_26] : memref<128x100000xf32, #tpu.memory_space<hbm>> -> memref<16x100000xf32, #tpu.memory_space<hbm>>
    tpu.wait_dma2 semaphore(%dma_wait3A_21 : memref<!tpu.dma_semaphore, #tpu.memory_space<semaphore_mem>>) src(%dma_wait3A_27 : memref<16x100000xf32, #tpu.memory_space<hbm>>) dst(%dma_wait3A_25 : memref<16x100000xf32, #tpu.memory_space<vmem>>)
    %get3A = arith.index_cast %select_n3A_19 : i32 to index
    %get3A_28 = arith.constant 0 : index
    %get3A_29 = arith.constant 0 : index
    %get3A_30 = vector.load %arg6[%get3A, %get3A_28, %get3A_29] : memref<3x16x100000xf32, #tpu.memory_space<vmem>>, vector<1x16x100000xf32>
    %get3A_31 = vector.shape_cast %get3A_30 : vector<1x16x100000xf32> to vector<16x100000xf32>
    %get3A_32 = arith.constant 0 : index
    %get3A_33 = arith.constant 0 : index
    %get3A_34 = vector.load %arg2[%get3A_32, %get3A_33] : memref<16x1xi32, #tpu.memory_space<vmem>>, vector<16x1xi32>
    %iota3A = tpu.iota {dimensions = array<i32: 1>} : vector<16x16xi32>
    %and3A_35 = arith.constant 15 : i32
    %and3A_36 = vector.broadcast %and3A_35 : i32 to vector<16x1xi32>
    %and3A_37 = arith.andi %get3A_34, %and3A_36 : vector<16x1xi32>
    %eq3A_38 = vector.broadcast %and3A_37 : vector<16x1xi32> to vector<16x16xi32>
    %eq3A_39 = arith.cmpi eq, %iota3A, %eq3A_38 : vector<16x16xi32>
    %get3A_40 = arith.constant 0 : index
    %get3A_41 = arith.constant 0 : index
    %get3A_42 = vector.load %arg1[%get3A_40, %get3A_41] : memref<16x16xf32, #tpu.memory_space<vmem>>, vector<16x16xf32>
    %jit3A_43 = arith.constant 0.000000e+00 : f64
    %convert_element_type3A_44 = arith.truncf %jit3A_43 : f64 to f32
    %broadcast_in_dim3A = vector.broadcast %convert_element_type3A_44 : f32 to vector<16x16xf32>
    %select_n3A_45 = arith.select %eq3A_39, %get3A_42, %broadcast_in_dim3A : vector<16x16xi1>, vector<16x16xf32>
    %reduce_sum3A = arith.constant dense<0.000000e+00> : vector<16xf32>
    %reduce_sum3A_46 = vector.multi_reduction <add>, %select_n3A_45, %reduce_sum3A [1] : vector<16x16xf32> to vector<16xf32>
    %broadcast_in_dim3A_47 = vector.shape_cast %reduce_sum3A_46 : vector<16xf32> to vector<16x1xf32>
    %iota3A_48 = tpu.iota {dimensions = array<i32: 1>} : vector<16x100000xi32>
    %gt3A = vector.broadcast %broadcast_in_dim3A_47 : vector<16x1xf32> to vector<16x100000xf32>
    %gt3A_49 = arith.cmpf ogt, %get3A_31, %gt3A : vector<16x100000xf32>
    %eq3A_50 = vector.broadcast %broadcast_in_dim3A_47 : vector<16x1xf32> to vector<16x100000xf32>
    %eq3A_51 = arith.cmpf oeq, %get3A_31, %eq3A_50 : vector<16x100000xf32>
    %lt3A_52 = vector.broadcast %get3A_34 : vector<16x1xi32> to vector<16x100000xi32>
    %lt3A_53 = arith.cmpi slt, %iota3A_48, %lt3A_52 : vector<16x100000xi32>
    %and3A_54 = arith.andi %eq3A_51, %lt3A_53 : vector<16x100000xi1>
    %or3A = arith.ori %gt3A_49, %and3A_54 : vector<16x100000xi1>
    %convert_element_type3A_55 = arith.extui %or3A : vector<16x100000xi1> to vector<16x100000xi32>
    %convert_element_type3A_56 = arith.sitofp %convert_element_type3A_55 : vector<16x100000xi32> to vector<16x100000xf32>
    %reduce_sum3A_57 = arith.constant dense<0.000000e+00> : vector<16xf32>
    %reduce_sum3A_58 = vector.multi_reduction <add>, %convert_element_type3A_56, %reduce_sum3A_57 [1] : vector<16x100000xf32> to vector<16xf32>
    %broadcast_in_dim3A_59 = vector.shape_cast %reduce_sum3A_58 : vector<16xf32> to vector<16x1xf32>
    %get3A_60 = arith.constant 0 : index
    %get3A_61 = arith.constant 0 : index
    %get3A_62 = vector.load %arg4[%get3A_60, %get3A_61] : memref<1x1xf32, #tpu.memory_space<vmem>>, vector<1x1xf32>
    %lt3A_63 = arith.constant 1.000000e+00 : f32
    %lt3A_64 = vector.broadcast %lt3A_63 : f32 to vector<16x1xf32>
    %lt3A_65 = arith.cmpf olt, %broadcast_in_dim3A_59, %lt3A_64 : vector<16x1xf32>
    %convert_element_type3A_66 = arith.extui %lt3A_65 : vector<16x1xi1> to vector<16x1xi32>
    %convert_element_type3A_67 = arith.sitofp %convert_element_type3A_66 : vector<16x1xi32> to vector<16x1xf32>
    %reduce_sum3A_68 = arith.constant dense<0.000000e+00> : vector<1xf32>
    %reduce_sum3A_69 = vector.multi_reduction <add>, %convert_element_type3A_67, %reduce_sum3A_68 [0] : vector<16x1xf32> to vector<1xf32>
    %broadcast_in_dim3A_70 = vector.shape_cast %reduce_sum3A_69 : vector<1xf32> to vector<1x1xf32>
    %mul3A_71 = arith.constant 7.812500e-01 : f32
    %mul3A_72 = vector.broadcast %mul3A_71 : f32 to vector<1x1xf32>
    %mul3A_73 = arith.mulf %broadcast_in_dim3A_70, %mul3A_72 : vector<1x1xf32>
    %add3A_74 = arith.addf %get3A_62, %mul3A_73 : vector<1x1xf32>
    %swap3A = arith.constant 0 : index
    %swap3A_75 = arith.constant 0 : index
    %swap3A_76 = vector.load %arg4[%swap3A, %swap3A_75] : memref<1x1xf32, #tpu.memory_space<vmem>>, vector<1x1xf32>
    tpu.vector_store %arg4[%swap3A, %swap3A_75], %add3A_74 {strides = array<i32>} : memref<1x1xf32, #tpu.memory_space<vmem>>, vector<1x1xf32>,
    %get3A_77 = arith.constant 0 : index
    %get3A_78 = arith.constant 0 : index
    %get3A_79 = vector.load %arg5[%get3A_77, %get3A_78] : memref<1x1xf32, #tpu.memory_space<vmem>>, vector<1x1xf32>
    %lt3A_80 = arith.constant 5.000000e+00 : f32
    %lt3A_81 = vector.broadcast %lt3A_80 : f32 to vector<16x1xf32>
    %lt3A_82 = arith.cmpf olt, %broadcast_in_dim3A_59, %lt3A_81 : vector<16x1xf32>
    %convert_element_type3A_83 = arith.extui %lt3A_82 : vector<16x1xi1> to vector<16x1xi32>
    %convert_element_type3A_84 = arith.sitofp %convert_element_type3A_83 : vector<16x1xi32> to vector<16x1xf32>
    %reduce_sum3A_85 = arith.constant dense<0.000000e+00> : vector<1xf32>
    %reduce_sum3A_86 = vector.multi_reduction <add>, %convert_element_type3A_84, %reduce_sum3A_85 [0] : vector<16x1xf32> to vector<1xf32>
    %broadcast_in_dim3A_87 = vector.shape_cast %reduce_sum3A_86 : vector<1xf32> to vector<1x1xf32>
    %mul3A_88 = arith.constant 7.812500e-01 : f32
    %mul3A_89 = vector.broadcast %mul3A_88 : f32 to vector<1x1xf32>
    %mul3A_90 = arith.mulf %broadcast_in_dim3A_87, %mul3A_89 : vector<1x1xf32>
    %add3A_91 = arith.addf %get3A_79, %mul3A_90 : vector<1x1xf32>
    %swap3A_92 = arith.constant 0 : index
    %swap3A_93 = arith.constant 0 : index
    %swap3A_94 = vector.load %arg5[%swap3A_92, %swap3A_93] : memref<1x1xf32, #tpu.memory_space<vmem>>, vector<1x1xf32>
    tpu.vector_store %arg5[%swap3A_92, %swap3A_93], %add3A_91 {strides = array<i32>} : memref<1x1xf32, #tpu.memory_space<vmem>>, vector<1x1xf32>,
    return
  }
  func.func @transform_0(%arg0: i32) -> (i32, i32) {
    %c0_i32 = arith.constant 0 : i32
    %c0_i32_0 = arith.constant 0 : i32
    return %arg0, %c0_i32 : i32, i32
  }
  func.func @transform_1(%arg0: i32) -> (i32, i32) {
    %c0_i32 = arith.constant 0 : i32
    %c0_i32_0 = arith.constant 0 : i32
    return %arg0, %c0_i32 : i32, i32
  }
  func.func @transform_3(%arg0: i32) -> (i32, i32) {
    %c0_i32 = arith.constant 0 : i32
    %c0_i32_0 = arith.constant 0 : i32
    %c0_i32_1 = arith.constant 0 : i32
    return %c0_i32, %c0_i32_0 : i32, i32
  }
  func.func @transform_4(%arg0: i32) -> (i32, i32) {
    %c0_i32 = arith.constant 0 : i32
    %c0_i32_0 = arith.constant 0 : i32
    %c0_i32_1 = arith.constant 0 : i32
    return %c0_i32, %c0_i32_0 : i32, i32
  }
}

</mosaic_0001>

<sc_bundles>
// kernel: kernel.4.cloned.1.call-start
scs
__scs_entry_jumppad:
0x0: {  	(pc) =	sbr.rel $0x88, $3  }
0x1: {  	(tag) =	ssettag $0x0;
	lr =	simm.s32 $0x1  }
0x2: {  	[smem:$0x3F9F] =	sst lr;
	_ =	strace $0xD0000000  }
0x3: {  	_ = 	snop  }
0x4: {  	_ = 	snop  }
0x5: {  	_ = 	snop  }
0x6: {  	_ = 	snop  }
0x7: {  	_ = 	snop  }
__scs_overlays_trampoline_lowered:
0x8: {  	[smem:$0x3FAE] =	sst s0  }
0x9: {  	[smem:$0x3FAF] =	sst s1  }
0xa: {  	[smem:$0x3FB0] =	sst s2  }
0xb: {  	[smem:$0x3FB1] =	sst s3  }
0xc: {  	[smem:$0x3FB2] =	sst s4  }
0xd: {  	[smem:$0x3FB3] =	sst s5  }
0xe: {  	[smem:$0x3FB4] =	sst s6  }
0xf: {  	[smem:$0x3FB5] =	sst s7  }
0x10: {  	[smem:$0x3FB6] =	sst s8  }
0x11: {  	[smem:$0x3FB7] =	sst s9;
	s0 =	simm.s32 @!p0 $0x0  }
0x12: {  	s1 =	sld [smem:$0x3F9D];
	s0 =	simm.s32 @p0 $0x1  }
0x13: {  	[smem:$0x3FB8] =	sst s0;
	s0 =	simm.s32 @!p1 $0x0  }
0x14: {  	s2 =	sld [smem:$0x3F9C];
	s0 =	simm.s32 @p1 $0x1  }
0x15: {  	[smem:$0x3FB9] =	sst s0;
	s0 =	simm.s32 @!p2 $0x0  }
0x16: {  	s3 =	sld [smem:$0x3FDB];
	s0 =	simm.s32 @p2 $0x1  }
0x17: {  	s4 =	simm.s32 $0x1BF5;
	[smem:$0x3FBB] =	sst s0  }
0x18: {  	s0 =	sld [smem:$0x3F9E];
	_ =	swait.ge [sflag:s4], $0x0  }
0x19: {  	s7 =	sld [smem:$0x3F9F]  }
0x1a: {  	s8 =	sadd.s32 $0xFFFFE003, lr  }
0x1b: {  	s9 =	sadd.s32 $0xFFFFFEF7, lr;
	s5 =	simm.s32 $0xFFFFFFFF;
	p2 =	slt.u32 s8, $0xFFFFF086  }
0x1c: {  	p1 =	slt.u32 s9, $0xF7A;
	s5 =	simm.s32 @!p2 $0x0  }
0x1d: {  	s5 =	simm.s32 @p1 $0x1;
	p0 =	seq.s32 s7, s2  }
0x1e: {  	s7 =	smul.u32 @!p0 $0xF7A, s2;
	p2 =	seq.s32 @!p0 s5, $0x0  }
0x1f: {  	s9 =	smul.u32 $0xF7A, s1;
	s8 =	simm.s32 @!p0 $0x1BF5;
	p2 =	por !p2, p0  }
0x20: {  	[sflag:s8] =	ssyncset.s32 @!p0 $0xFFFFF086;
	s6 =	sadd.s32 @!p0 s3, s7;
	s7 =	simm.s32 @!p0 $0x108  }
0x21: {  	s3 =	sadd.s32 s3, s9;
	s6 =	sadd.s32 @!p0 $0x88, s6;
	s7 =	simm.s32 @p2 $0x1082  }
0x22: {  	[simem:s7], [sflag:s8] =	dma.local @!p0 [hbm:s6], $0xF7A  }
0x23: {  	s9 =	sor.u32 $0xD0000000, s2;
	s6 =	simm.s32 $0x108;
	_ =	swait.ge @!p0 [sflag:s8], $0x0  }
0x24: {  	s3 =	sadd.s32 $0x88, s3;
	s6 =	simm.s32 @!p1 $0x1082;
	[sflag:s4] =	ssyncset.s32 $0xFFFFF086  }
0x25: {  	[simem:s6], [sflag:s4] =	dma.local [hbm:s3], $0xF7A  }
0x26: {  	[smem:$0x3F9F] =	sst s1;
	(tag) =	ssettag s2;
	_ =	strace s9  }
0x27: {  	s1 =	sld [smem:$0x3FAF]  }
0x28: {  	s2 =	sld [smem:$0x3FB0]  }
0x29: {  	s4 =	sld [smem:$0x3FB2]  }
0x2a: {  	p0 =	seq.s32 s5, $0x0;
	s5 =	sld [smem:$0x3FB3]  }
0x2b: {  	s6 =	sld [smem:$0x3FB4]  }
0x2c: {  	s7 =	sld [smem:$0x3FB5]  }
0x2d: {  	s3 =	simm.s32 $0x108;
	s8 =	sld [smem:$0x3FB6]  }
0x2e: {  	s3 =	simm.s32 @!p0 $0x1082;
	s9 =	sld [smem:$0x3FB7]  }
0x2f: {  	lr =	sadd.s32 s0, s3;
	s0 =	sld [smem:$0x3FAE]  }
0x30: {  	s3 =	sld [smem:$0x3FB1]  }
0x31: {  	[smem:$0x3FBA] =	sst s10  }
0x32: {  	s10 =	sld [smem:$0x3FB8];
	_ =	sdelay $0x3  }
0x33: {  	p0 =	seq.s32 s10, $0x1;
	s10 =	sld [smem:$0x3FBA];
	_ =	sdelay $0x3  }
0x34: {  	[smem:$0x3FBA] =	sst s10  }
0x35: {  	s10 =	sld [smem:$0x3FB9];
	_ =	sdelay $0x3  }
0x36: {  	p1 =	seq.s32 s10, $0x1;
	s10 =	sld [smem:$0x3FBA];
	_ =	sdelay $0x3  }
0x37: {  	[smem:$0x3FBA] =	sst s10  }
0x38: {  	s10 =	sld [smem:$0x3FBB]  }
0x39: {  	_ = 	snop;
	(pc) =	sbr.ind lr, $3  }
0x3a: {  	_ = 	snop  }
0x3b: {  	_ = 	snop  }
0x3c: {  	p2 =	seq.s32 s10, $0x1;
	s10 =	sld [smem:$0x3FBA]  }
0x3d: {  	_ =	shalt  }
0x3e: {  	_ =	shalt  }
0x3f: {  	_ =	shalt  }
0x40: {  	_ =	shalt  }
0x41: {  	_ =	shalt  }
0x42: {  	_ =	shalt  }
0x43: {  	_ =	shalt  }
0x44: {  	_ =	shalt  }
0x45: {  	_ =	shalt  }
0x46: {  	_ =	shalt  }
0x47: {  	_ =	shalt  }
0x48: {  	_ =	shalt  }
0x49: {  	_ =	shalt  }
0x4a: {  	_ =	shalt  }
0x4b: {  	_ =	shalt  }
0x4c: {  	_ =	shalt  }
0x4d: {  	_ =	shalt  }
0x4e: {  	_ =	shalt  }
0x4f: {  	_ =	shalt  }
0x50: {  	_ =	shalt  }
0x51: {  	_ =	shalt  }
0x52: {  	_ =	shalt  }
0x53: {  	_ =	shalt  }
0x54: {  	_ =	shalt  }
0x55: {  	_ =	shalt  }
0x56: {  	_ =	shalt  }
0x57: {  	_ =	shalt  }
0x58: {  	_ =	shalt  }
0x59: {  	_ =	shalt  }
0x5a: {  	_ =	shalt  }
0x5b: {  	_ =	shalt  }
0x5c: {  	_ =	shalt  }
0x5d: {  	_ =	shalt  }
0x5e: {  	_ =	shalt  }
0x5f: {  	_ =	shalt  }
0x60: {  	_ =	shalt  }
0x61: {  	_ =	shalt  }
0x62: {  	_ =	shalt  }
0x63: {  	_ =	shalt  }
0x64: {  	_ =	shalt  }
0x65: {  	_ =	shalt  }
0x66: {  	_ =	shalt  }
0x67: {  	_ =	shalt  }
0x68: {  	_ =	shalt  }
0x69: {  	_ =	shalt  }
0x6a: {  	_ =	shalt  }
0x6b: {  	_ =	shalt  }
0x6c: {  	_ =	shalt  }
0x6d: {  	_ =	shalt  }
0x6e: {  	_ =	shalt  }
0x6f: {  	_ =	shalt  }
0x70: {  	_ =	shalt  }
0x71: {  	_ =	shalt  }
0x72: {  	_ =	shalt  }
0x73: {  	_ =	shalt  }
0x74: {  	_ =	shalt  }
0x75: {  	_ =	shalt  }
0x76: {  	_ =	shalt  }
0x77: {  	_ =	shalt  }
0x78: {  	_ =	shalt  }
0x79: {  	_ =	shalt  }
0x7a: {  	_ =	shalt  }
0x7b: {  	_ =	shalt  }
0x7c: {  	_ =	shalt  }
0x7d: {  	_ =	shalt  }
0x7e: {  	_ =	shalt  }
0x7f: {  	_ =	shalt  }
0x80: {  	_ =	shalt  }
0x81: {  	_ =	shalt  }
0x82: {  	_ =	shalt  }
0x83: {  	_ =	shalt  }
0x84: {  	_ =	shalt  }
0x85: {  	_ =	shalt  }
0x86: {  	_ =	shalt  }
0x87: {  	_ =	shalt  }
.Lfunc_end0:
.L_simem_size_0:
called_computation_lowered:
.L_overlay_start_0:
0x88: {  	s2 =	sld [smem:$0x3FD9]  }
0x89: {  	s3 =	sld [smem:$0x3FFE];
	_ =	sdelay $0x1  }
0x8a: {  	s1 =	srdreg.scid  }
0x8b: {  	s0 =	sand.u32 $0x1, s1  }
0x8c: {  	s14 =	sshll.u32 s0, $0xA;
	s2 =	sadd.s32 s3, s2  }
0x8d: {  	s2 =	sadd.s32 s2, s14  }
0x8e: {  	[smem:$0x3FC6] =	sst s2  }
0x8f: {  	_ = 	snop  }
0x90: {  	s2 =	sld [smem:$0x3FD0];
	_ =	sdelay $0x2  }
0x91: {  	s15 =	simm.s32 $0xA;
	s4 =	simm.s32 $0x10  }
0x92: {  	[smem:s4], [sflag:s15] =	dma.local [hbm:s2], $0x1  }
0x93: {  	_ =	swait.eq [sflag:s15], $0x1  }
0x94: {  	[sflag:s15] =	ssyncset.done $0x0  }
0x95: {  	[sflag:s15] =	ssyncadd.s32 $0xFFFFFFFF  }
0x96: {  	s16 =	sld [smem:$0x11];
	(tm) =	ssettm $0x1  }
0x97: {  	s17 =	sld [smem:$0x3FFB];
	_ =	sdelay $0x3  }
0x98: {  	_ =	strace s17  }
0x99: {  	s3 =	sld [smem:$0x3FFC];
	_ =	sdelay $0x3  }
0x9a: {  	_ =	strace s3  }
0x9b: {  	s3 =	sld [smem:$0x3FFD];
	_ =	sdelay $0x3  }
0x9c: {  	_ =	strace s3  }
0x9d: {  	_ =	strace $0x8FFFFFFF  }
0x9e: {  	s18 =	sld [smem:$0x3FDB];
	_ =	sdelay $0x1  }
0x9f: {  	s19 =	simm.s32 $_scs_section_size  }
0xa0: {  	s5 =	simm.s32 $_size__tile_overlayer_lowered;
	s6 =	simm.s32 $_tile_overlayer_lowered  }
0xa1: {  	s22 =	simm.s32 $0x1BFF;
	s21 =	sshll.u32 s6, $0x1;
	s3 =	sadd.s32 s19, s18  }
0xa2: {  	s7 =	simm.s32 $0x0;
	s20 =	sshll.u32 s5, $0x1;
	s5 =	sadd.s32 s21, s3  }
0xa3: {  	[timem:s7], [sflag:s22] =	dma.local [hbm:s5], s20  }
0xa4: {  	_ =	swait.ge [sflag:s22], s20  }
0xa5: {  	s4 =	ssub.s32 $0x0, s20;
	[sflag:s22] =	ssyncset.done $0x0  }
0xa6: {  	[sflag:s22] =	ssyncadd.s32 s4;
	_ =	sdelay $0x1  }
0xa7: {  	s23 =	simm.s32 $0x1B8B  }
0xa8: {  	_ =	swait.ge [sflag:s23], $0x1  }
0xa9: {  	[sflag:s23] =	ssyncset.done $0x0  }
0xaa: {  	s25 =	simm.s32 $0x1B8E;
	s24 =	sld [smem:$0x3FFE];
	[sflag:s23] =	ssyncadd.s32 $0xFFFFFFFF  }
0xab: {  	s26 =	simm.s32 $execute0_lowered;
	[smem:$0x3FD2] =	sst s25  }
0xac: {  	s5 =	sshll.u32 s26, $0x1;
	_ =	strace $0x80000046;
	[dreg:$0x1] =	wrdreg $0xFFFFFFFF  }
0xad: {  	s28 =	simm.s32 $_size_execute0_lowered;
	s3 =	sadd.s32 s3, s5;
	[dreg:$0x0] =	wrdreg $0x0  }
0xae: {  	s5 =	sshll.u32 s28, $0x1;
	[dreg:$0x2] =	wrdreg s3  }
0xaf: {  	[dreg:$0x3] =	wrdreg s5  }
0xb0: {  	[dreg:$0x4] =	wrdreg $0xC0  }
0xb1: {  	_ =	task [dreg:s7], $0x5FFFF  }
0xb2: {  	[dreg:$0x1] =	wrdreg $0xFFFFFFFF  }
0xb3: {  	[dreg:$0x0] =	wrdreg $0x60  }
0xb4: {  	[dreg:$0x2] =	wrdreg s24  }
0xb5: {  	[dreg:$0x3] =	wrdreg s16  }
0xb6: {  	[dreg:$0x4] =	wrdreg $0x9  }
0xb7: {  	_ =	task.clear_ibuf [dreg:s7], $0x5FFFF;
	_ =	strace $0x90000046  }
0xb8: {  	s29 =	simm.s32 $0x9;
	_ =	strace $0x80000048  }
0xb9: {  	_ =	swait.ge [sflag:s29], $0x1  }
0xba: {  	[sflag:s29] =	ssyncadd.s32 $0xFFFFFFFF  }
0xbb: {  	_ =	strace $0x90000048  }
0xbc: {  	_ =	sfence  }
0xbd: {  	s30 =	sld [smem:$0x0];
	_ =	sdelay $0x2  }
0xbe: {  	s31 =	sshll.u32 s1, $0xD;
	s1 =	sshrl.u32 s1, $0x2  }
0xbf: {  	s3 =	sand.u32 $0x4000, s31;
	s1 =	sadd.s32 s1, s30  }
0xc0: {  	s0 =	sor.u32 s3, s0;
	s1 =	sshll.u32 s1, $0x11  }
0xc1: {  	s0 =	sor.u32 s1, s0  }
0xc2: {  	s0 =	sadd.s32 $0x8F2B, s0  }
0xc3: {  	[sflag:s0] =	ssyncadd.remote.s32 $0x1  }
0xc4: {  	_ =	sfence.sel $0xFFFF  }
0xc5: {  	[dreg:$0x0] =	wrdreg $0xFFFFFFFF;
	(pc) =	sbr.abs _section_cstart, $3  }
0xc6: {  	[dreg:$0x1] =	wrdreg $0xFFFFFFFF  }
0xc7: {  	_ =	task.clear_ibuf [dreg:s7], $0x2FFFF;
	_ =	strace $0x9FFFFFFF  }
0xc8: {  	(tm) =	ssettm $0x7FFFFFFF  }
0xc9: {  	_ =	shalt  }
tec
execute0_lowered:
.L_overlay_start_1:
0x0: {  	(tag) =	ssettag $0x1  }
0x1: {  	s4 =	stileid.u32  }
0x2: {  	p0 =	sgt.u32 s4, $0x3  }
.Ltmp0:
0x3: {  	_ = 	snop;
	(pc) =	sbr.rel @p0 .LBB2_5-.Ltmp0, $4  }
0x4: {  	s1 =	rddreg [dreg:$0x0]  }
0x5: {  	s3 =	rddreg [dreg:$0x1];
	s2 =	simm.s32 $0x0  }
0x6: {  	[smem:$0x7FF] =	sst s2  }
0x7: {  	s0 =	rddreg [dreg:$0x2];
	_ =	strace $0x80000047  }
0x8: {  	s0 =	srdreg.scid;
	s8 =	simm.s32 $0x80  }
0x9: {  	s15 =	sshll.u32 s4, $0x1;
	s9 =	simm.s32 $0x480;
	[dreg:$0x13] =	wrdreg s8  }
0xa: {  	s16 =	sadd.s32 $0x187800, s1;
	s11 =	simm.s32 $0x880;
	[dreg:$0x14] =	wrdreg s9  }
0xb: {  	s12 =	simm.s32 $0xC80;
	s10 =	sand.u32 $0x1, s0;
	[dreg:$0x15] =	wrdreg s11  }
0xc: {  	s13 =	simm.s32 $0x1080;
	[dreg:$0x16] =	wrdreg s12;
	s0 =	sor.u32 s10, s15  }
0xd: {  	s14 =	simm.s32 $0x1480;
	[dreg:$0x17] =	wrdreg s13;
	s5 =	sshll.u32 s0, $0x5  }
0xe: {  	[dreg:$0x18] =	wrdreg s14;
	s15 =	simm.s32 $0x1880;
	s25 =	sadd.s32 s16, s5  }
0xf: {  	[dreg:$0x19] =	wrdreg s15;
	s5 =	sadd.s32 $0x2, s25  }
0x10: {  	s17 =	sadd.s32 $0x4, s25;
	[dreg:$0x3] =	wrdreg s5  }
0x11: {  	s18 =	sadd.s32 $0x6, s25;
	[dreg:$0x4] =	wrdreg s17  }
0x12: {  	s19 =	sadd.s32 $0x8, s25;
	[dreg:$0x5] =	wrdreg s18  }
0x13: {  	s20 =	sadd.s32 $0xA, s25;
	[dreg:$0x6] =	wrdreg s19  }
0x14: {  	s21 =	sadd.s32 $0xC, s25;
	[dreg:$0x7] =	wrdreg s20  }
0x15: {  	s22 =	sadd.s32 $0xE, s25;
	[dreg:$0x8] =	wrdreg s21  }
0x16: {  	s23 =	sadd.s32 $0x12, s25;
	[dreg:$0x9] =	wrdreg s22  }
0x17: {  	s24 =	sadd.s32 $0x14, s25;
	[dreg:$0xb] =	wrdreg s23  }
0x18: {  	s26 =	sadd.s32 $0x16, s25;
	[dreg:$0xc] =	wrdreg s24  }
0x19: {  	s6 =	sshll.u32 s0, $0x4;
	s28 =	sadd.s32 $0x18, s25;
	[dreg:$0xd] =	wrdreg s26  }
0x1a: {  	s7 =	sor.u32 $0x8, s6;
	s29 =	sadd.s32 $0x1A, s25;
	[dreg:$0xe] =	wrdreg s28  }
0x1b: {  	s6 =	sshll.u32 s7, $0x1;
	s30 =	sadd.s32 $0x1C, s25;
	[dreg:$0xf] =	wrdreg s29  }
0x1c: {  	s4 =	sadd.s32 s16, s6;
	[dreg:$0x10] =	wrdreg s30  }
0x1d: {  	s5 =	sadd.s32 $0x1E, s25;
	[dreg:$0xa] =	wrdreg s4  }
0x1e: {  	s16 =	simm.s32 $0x1C80;
	[dreg:$0x11] =	wrdreg s5  }
0x1f: {  	s17 =	simm.s32 $0x2080;
	[dreg:$0x1a] =	wrdreg s16  }
0x20: {  	s18 =	simm.s32 $0x2480;
	[dreg:$0x1b] =	wrdreg s17  }
0x21: {  	s19 =	simm.s32 $0x2880;
	[dreg:$0x1c] =	wrdreg s18  }
0x22: {  	s20 =	simm.s32 $0x2C80;
	[dreg:$0x1d] =	wrdreg s19  }
0x23: {  	s21 =	simm.s32 $0x3080;
	[dreg:$0x1e] =	wrdreg s20  }
0x24: {  	s22 =	simm.s32 $0x3480;
	[dreg:$0x1f] =	wrdreg s21  }
0x25: {  	s23 =	simm.s32 $0x3880;
	[smem:$0x7F9] =	sst s22  }
0x26: {  	s6 =	sshll.u32 s0, $0x1;
	s26 =	simm.s32 $0x3C80;
	[smem:$0x7FA] =	sst s23  }
0x27: {  	s3 =	sadd.s32 s3, s6;
	[smem:$0x7FC] =	sst s26  }
0x28: {  	[dreg:$0x12] =	wrdreg s3  }
0x29: {  	s4 =	simm.s32 $0x2;
	s24 =	rddreg [dreg:$0x12]  }
0x2a: {  	[tilespmem:s2], [sflag:$0x2] =	stream.linear.gather [hbm4b:s24+s2], $0x10, $0x38;
	[tilespmem:$0x4100] =	vst v63  }
0x2b: {  	_ =	swait.ge [sflag:s4], $0x10  }
0x2c: {  	[sflag:s4] =	ssyncset.done $0x0  }
0x2d: {  	[sflag:s4] =	ssyncadd.s32 $0xFFFFFFF0  }
0x2e: {  	v0 =	vld [tilespmem:$0x0];
	_ =	sdelay $0x4  }
0x2f: {  	(v2sf) =	vpush v0, $0xC  }
0x30: {  	(v2sf) =	vpush v0, $0x1  }
0x31: {  	(v2sf) =	vpush v0, $0x2  }
0x32: {  	(v2sf) =	vpush v0, $0x3  }
0x33: {  	(v2sf) =	vpush v0, $0x6  }
0x34: {  	(v2sf) =	vpush v0, $0x0;
	_ =	sdelay $0x3  }
0x35: {  	(v2sf) =	vpush v0, $0x4;
	_ =	sdelay $0x2  }
0x36: {  	(v2sf) =	vpush v0, $0x8  }
0x37: {  	s28 =	sshrl.u32 s7, $0x3;
	s16 =	smul.u32 $0x187000, s0;
	s12 =	rddreg [dreg:$0x17]  }
0x38: {  	s26 =	smul.u32 $0xC3800, s28;
	s13 =	rddreg [dreg:$0x16];
	(v2sf) =	vpush v0, $0x7  }
0x39: {  	s15 =	rddreg [dreg:$0x15];
	s0 =	spop (v2sf)  }
0x3a: {  	s17 =	rddreg [dreg:$0x14];
	(v2sf) =	vpush v0, $0x5;
	s19 =	spop (v2sf)  }
0x3b: {  	s20 =	rddreg [dreg:$0x13];
	s18 =	spop (v2sf)  }
0x3c: {  	s6 =	sadd.s32 $0x800, s1;
	s11 =	rddreg [dreg:$0x1b];
	s3 =	spop (v2sf)  }
0x3d: {  	[smem:$0x7F8] =	sst s16;
	s21 =	sshll.u32 s19, $0x3;
	s14 =	spop (v2sf)  }
0x3e: {  	s22 =	sshll.u32 s18, $0x3;
	s21 =	sand.u32 $0x7FFFFC00, s21;
	s9 =	spop (v2sf)  }
0x3f: {  	s22 =	sand.u32 $0x7FFFFC00, s22;
	s21 =	sadd.s32 s16, s21;
	s29 =	sshll.u32 s9, $0x3  }
0x40: {  	s30 =	sshll.u32 s3, $0x3;
	s22 =	sadd.s32 s16, s22;
	s1 =	sand.u32 $0x7FFFFC00, s29  }
0x41: {  	s23 =	sshrl.u32 s21, $0x3;
	s24 =	sand.u32 $0x7FFFFC00, s30;
	s1 =	sadd.s32 s16, s1  }
0x42: {  	s22 =	sshrl.u32 s22, $0x3;
	s21 =	spop (v2sf);
	s1 =	sshrl.u32 s1, $0x3  }
0x43: {  	(v2sf) =	vpush v0, $0x9;
	s7 =	sadd.s32 s6, s23;
	s28 =	sadd.s32 s16, s24;
	s1 =	sadd.s32 s6, s1  }
0x44: {  	[tilespmem:s20], [sflag:$0x1] =	stream.linear.gather [hbm4b:s1+s2], $0x400, $0x38;
	[tilespmem:$0x4100] =	vst v63  }
0x45: {  	s23 =	sshll.u32 s21, $0x3;
	s22 =	sadd.s32 s6, s22;
	s1 =	spop (v2sf)  }
0x46: {  	[tilespmem:s17], [sflag:$0x1] =	stream.linear.gather [hbm4b:s7+s2], $0x400, $0x38;
	[tilespmem:$0x4100] =	vst v63  }
0x47: {  	(v2sf) =	vpush v0, $0xA;
	s30 =	sshrl.u32 s28, $0x3;
	s28 =	sshll.u32 s14, $0x3;
	s17 =	spop (v2sf)  }
0x48: {  	[tilespmem:s15], [sflag:$0x1] =	stream.linear.gather [hbm4b:s22+s2], $0x400, $0x38;
	[tilespmem:$0x4100] =	vst v63  }
0x49: {  	s29 =	sand.u32 $0x7FFFFC00, s23;
	s20 =	sadd.s32 s6, s30;
	s24 =	spop (v2sf)  }
0x4a: {  	s30 =	sand.u32 $0x7FFFFC00, s28;
	s15 =	sadd.s32 s16, s29;
	s7 =	sshll.u32 s24, $0x3  }
0x4b: {  	[tilespmem:s13], [sflag:$0x1] =	stream.linear.gather [hbm4b:s20+s2], $0x400, $0x38;
	[tilespmem:$0x4100] =	vst v63  }
0x4c: {  	s28 =	sshll.u32 s1, $0x3;
	s15 =	sshrl.u32 s15, $0x3;
	s23 =	sand.u32 $0x7FFFFC00, s7  }
0x4d: {  	s29 =	rddreg [dreg:$0x19];
	s15 =	sadd.s32 s6, s15;
	s20 =	sadd.s32 s16, s23  }
0x4e: {  	(v2sf) =	vpush v0, $0xB;
	[tilespmem:s12], [sflag:$0x1] =	stream.linear.gather [hbm4b:s15+s2], $0x400, $0x38;
	[tilespmem:$0x4100] =	vst v63  }
0x4f: {  	s13 =	rddreg [dreg:$0x18];
	s7 =	sshll.u32 s17, $0x3;
	s20 =	sshrl.u32 s20, $0x3  }
0x50: {  	s23 =	sand.u32 $0x7FFFFC00, s7;
	s15 =	sadd.s32 s16, s30;
	s20 =	sadd.s32 s6, s20  }
0x51: {  	[tilespmem:s13], [sflag:$0x1] =	stream.linear.gather [hbm4b:s20+s2], $0x400, $0x38;
	[tilespmem:$0x4100] =	vst v63  }
0x52: {  	s7 =	spop (v2sf);
	s15 =	sshrl.u32 s15, $0x3;
	s13 =	rddreg [dreg:$0x1a]  }
0x53: {  	s20 =	sadd.s32 s16, s23;
	s15 =	sadd.s32 s6, s15;
	s16 =	sshll.u32 s7, $0x3  }
0x54: {  	(v2sf) =	vpush v0, $0xD;
	[tilespmem:s29], [sflag:$0x1] =	stream.linear.gather [hbm4b:s15+s2], $0x400, $0x38;
	[tilespmem:$0x4100] =	vst v63  }
0x55: {  	s30 =	sshrl.u32 s20, $0x3;
	s22 =	sand.u32 $0x7FFFFC00, s16;
	s29 =	sand.u32 $0x7FFFFC00, s28  }
0x56: {  	s16 =	spop (v2sf);
	s15 =	sadd.s32 s6, s30;
	s12 =	sadd.s32 s26, s29  }
0x57: {  	(v2sf) =	vpush v0, $0xE;
	[tilespmem:s13], [sflag:$0x1] =	stream.linear.gather [hbm4b:s15+s2], $0x400, $0x38;
	[tilespmem:$0x4100] =	vst v63  }
0x58: {  	s23 =	sshll.u32 s16, $0x3;
	s12 =	sshrl.u32 s12, $0x3;
	s13 =	sadd.s32 s26, s22  }
0x59: {  	s29 =	sand.u32 $0x7FFFFC00, s23;
	s12 =	sadd.s32 s6, s12;
	s28 =	sshrl.u32 s13, $0x3  }
0x5a: {  	[tilespmem:s11], [sflag:$0x1] =	stream.linear.gather [hbm4b:s12+s2], $0x400, $0x38;
	[tilespmem:$0x4100] =	vst v63  }
0x5b: {  	s8 =	rddreg [dreg:$0x1c];
	s12 =	sadd.s32 s26, s29;
	s11 =	sadd.s32 s6, s28  }
0x5c: {  	[tilespmem:s8], [sflag:$0x1] =	stream.linear.gather [hbm4b:s11+s2], $0x400, $0x38;
	[tilespmem:$0x4100] =	vst v63  }
0x5d: {  	s20 =	sshrl.u32 s12, $0x3;
	s23 =	spop (v2sf)  }
0x5e: {  	s5 =	rddreg [dreg:$0x1d];
	s11 =	sadd.s32 s6, s20;
	s30 =	sshll.u32 s23, $0x3  }
0x5f: {  	[tilespmem:s5], [sflag:$0x1] =	stream.linear.gather [hbm4b:s11+s2], $0x400, $0x38;
	[tilespmem:$0x4100] =	vst v63  }
0x60: {  	(v2sf) =	vpush v0, $0xF;
	s22 =	sand.u32 $0x7FFFFC00, s30  }
0x61: {  	s28 =	sshll.u32 s0, $0x3;
	s12 =	sadd.s32 s26, s22  }
0x62: {  	s15 =	rddreg [dreg:$0x1e];
	s30 =	sand.u32 $0x7FFFFC00, s28;
	s12 =	sshrl.u32 s12, $0x3  }
0x63: {  	s20 =	spop (v2sf);
	s11 =	sadd.s32 s26, s30;
	s12 =	sadd.s32 s6, s12  }
0x64: {  	[tilespmem:s15], [sflag:$0x1] =	stream.linear.gather [hbm4b:s12+s2], $0x400, $0x38;
	[tilespmem:$0x4100] =	vst v63  }
0x65: {  	s29 =	rddreg [dreg:$0x1f];
	s11 =	sshrl.u32 s11, $0x3;
	s12 =	sshll.u32 s20, $0x3  }
0x66: {  	s11 =	sadd.s32 s6, s11;
	s8 =	sand.u32 $0x7FFFFC00, s12;
	s12 =	spop (v2sf)  }
0x67: {  	[tilespmem:s29], [sflag:$0x1] =	stream.linear.gather [hbm4b:s11+s2], $0x400, $0x38;
	[tilespmem:$0x4100] =	vst v63  }
0x68: {  	s13 =	sld [smem:$0x7F9];
	s8 =	sadd.s32 s26, s8;
	s15 =	sshll.u32 s12, $0x3  }
0x69: {  	s8 =	sshrl.u32 s8, $0x3;
	s11 =	sand.u32 $0x7FFFFC00, s15  }
0x6a: {  	s22 =	sld [smem:$0x7FA];
	s8 =	sadd.s32 s6, s8;
	s28 =	sadd.s32 s26, s11  }
0x6b: {  	[tilespmem:s13], [sflag:$0x1] =	stream.linear.gather [hbm4b:s8+s2], $0x400, $0x38;
	[tilespmem:$0x4100] =	vst v63  }
0x6c: {  	s8 =	sshrl.u32 s28, $0x3  }
0x6d: {  	s8 =	sadd.s32 s6, s8  }
0x6e: {  	[tilespmem:s22], [sflag:$0x1] =	stream.linear.gather [hbm4b:s8+s2], $0x400, $0x38;
	[tilespmem:$0x4100] =	vst v63  }
0x6f: {  	s11 =	spop (v2sf)  }
0x70: {  	s29 =	sshll.u32 s11, $0x3  }
0x71: {  	s5 =	sand.u32 $0x7FFFFC00, s29  }
0x72: {  	s30 =	sld [smem:$0x7FC];
	s5 =	sadd.s32 s26, s5  }
0x73: {  	s5 =	sshrl.u32 s5, $0x3  }
0x74: {  	[smem:$0x7FB] =	sst s26;
	s8 =	simm.s32 $0x1;
	s5 =	sadd.s32 s6, s5  }
0x75: {  	[tilespmem:s30], [sflag:$0x1] =	stream.linear.gather [hbm4b:s5+s2], $0x400, $0x38;
	[tilespmem:$0x4100] =	vst v63  }
0x76: {  	_ =	swait.ge [sflag:s8], $0x400  }
0x77: {  	[sflag:s8] =	ssyncset.done $0x0  }
0x78: {  	[sflag:s8] =	ssyncadd.s32 $0xFFFFFC00  }
0x79: {  	_ =	swait.ge [sflag:s8], $0x400  }
0x7a: {  	[sflag:s8] =	ssyncset.done $0x0  }
0x7b: {  	[sflag:s8] =	ssyncadd.s32 $0xFFFFFC00  }
0x7c: {  	_ =	swait.ge [sflag:s8], $0x400  }
0x7d: {  	[sflag:s8] =	ssyncset.done $0x0  }
0x7e: {  	[sflag:s8] =	ssyncadd.s32 $0xFFFFFC00  }
0x7f: {  	_ =	swait.ge [sflag:s8], $0x400  }
0x80: {  	[sflag:s8] =	ssyncset.done $0x0  }
0x81: {  	[sflag:s8] =	ssyncadd.s32 $0xFFFFFC00  }
0x82: {  	_ =	swait.ge [sflag:s8], $0x400  }
0x83: {  	[sflag:s8] =	ssyncset.done $0x0  }
0x84: {  	[sflag:s8] =	ssyncadd.s32 $0xFFFFFC00  }
0x85: {  	_ =	swait.ge [sflag:s8], $0x400  }
0x86: {  	[sflag:s8] =	ssyncset.done $0x0  }
0x87: {  	[sflag:s8] =	ssyncadd.s32 $0xFFFFFC00  }
0x88: {  	_ =	swait.ge [sflag:s8], $0x400  }
0x89: {  	[sflag:s8] =	ssyncset.done $0x0  }
0x8a: {  	[sflag:s8] =	ssyncadd.s32 $0xFFFFFC00  }
0x8b: {  	_ =	swait.ge [sflag:s8], $0x400  }
0x8c: {  	[sflag:s8] =	ssyncset.done $0x0  }
0x8d: {  	[sflag:s8] =	ssyncadd.s32 $0xFFFFFC00  }
0x8e: {  	_ =	swait.ge [sflag:s8], $0x400  }
0x8f: {  	[sflag:s8] =	ssyncset.done $0x0  }
0x90: {  	[sflag:s8] =	ssyncadd.s32 $0xFFFFFC00  }
0x91: {  	_ =	swait.ge [sflag:s8], $0x400  }
0x92: {  	[sflag:s8] =	ssyncset.done $0x0  }
0x93: {  	[sflag:s8] =	ssyncadd.s32 $0xFFFFFC00  }
0x94: {  	_ =	swait.ge [sflag:s8], $0x400  }
0x95: {  	[sflag:s8] =	ssyncset.done $0x0  }
0x96: {  	[sflag:s8] =	ssyncadd.s32 $0xFFFFFC00  }
0x97: {  	_ =	swait.ge [sflag:s8], $0x400  }
0x98: {  	[sflag:s8] =	ssyncset.done $0x0  }
0x99: {  	[sflag:s8] =	ssyncadd.s32 $0xFFFFFC00  }
0x9a: {  	_ =	swait.ge [sflag:s8], $0x400  }
0x9b: {  	[sflag:s8] =	ssyncset.done $0x0  }
0x9c: {  	[sflag:s8] =	ssyncadd.s32 $0xFFFFFC00  }
0x9d: {  	_ =	swait.ge [sflag:s8], $0x400  }
0x9e: {  	[sflag:s8] =	ssyncset.done $0x0  }
0x9f: {  	[sflag:s8] =	ssyncadd.s32 $0xFFFFFC00  }
0xa0: {  	_ =	swait.ge [sflag:s8], $0x400  }
0xa1: {  	[sflag:s8] =	ssyncset.done $0x0  }
0xa2: {  	[sflag:s8] =	ssyncadd.s32 $0xFFFFFC00  }
0xa3: {  	_ =	swait.ge [sflag:s8], $0x400  }
0xa4: {  	[sflag:s8] =	ssyncset.done $0x0  }
0xa5: {  	s9 =	sand.u32 $0x70, s9;
	[sflag:s8] =	ssyncadd.s32 $0xFFFFFC00  }
0xa6: {  	v0 =	vld [tilespmem:s9+$0x80];
	_ =	sdelay $0x4  }
0xa7: {  	[smem:$0x7FD] =	sst s25;
	s9 =	simm.s32 $0x4080;
	[tilespmem:$0x4080] =	vst v0  }
0xa8: {  	[hbm4b:s25+s2] =	stream.linear.scatter [tilespmem:s9], [sflag:$0x2], $0x10, $0x38;
	[tilespmem:$0x4100] =	vst v63  }
0xa9: {  	_ =	swait.ge [sflag:s4], $0x10  }
0xaa: {  	[sflag:s4] =	ssyncset.done $0x0  }
0xab: {  	s13 =	sand.u32 $0x70, s19;
	[sflag:s4] =	ssyncadd.s32 $0xFFFFFFF0  }
0xac: {  	v0 =	vld [tilespmem:s13+$0x500];
	_ =	sdelay $0x4  }
0xad: {  	s15 =	rddreg [dreg:$0x3];
	[tilespmem:$0x4080] =	vst v0  }
0xae: {  	[hbm4b:s15+s2] =	stream.linear.scatter [tilespmem:s9], [sflag:$0x2], $0x10, $0x38;
	[tilespmem:$0x4100] =	vst v63  }
0xaf: {  	_ =	swait.ge [sflag:s4], $0x10  }
0xb0: {  	[sflag:s4] =	ssyncset.done $0x0  }
0xb1: {  	s19 =	sand.u32 $0x70, s18;
	[sflag:s4] =	ssyncadd.s32 $0xFFFFFFF0  }
0xb2: {  	v0 =	vld [tilespmem:s19+$0x980];
	_ =	sdelay $0x4  }
0xb3: {  	s22 =	rddreg [dreg:$0x4];
	[tilespmem:$0x4080] =	vst v0  }
0xb4: {  	[hbm4b:s22+s2] =	stream.linear.scatter [tilespmem:s9], [sflag:$0x2], $0x10, $0x38;
	[tilespmem:$0x4100] =	vst v63  }
0xb5: {  	_ =	swait.ge [sflag:s4], $0x10  }
0xb6: {  	[sflag:s4] =	ssyncset.done $0x0  }
0xb7: {  	s3 =	sand.u32 $0x70, s3;
	[sflag:s4] =	ssyncadd.s32 $0xFFFFFFF0  }
0xb8: {  	v0 =	vld [tilespmem:s3+$0xE00];
	_ =	sdelay $0x4  }
0xb9: {  	s25 =	rddreg [dreg:$0x5];
	[tilespmem:$0x4080] =	vst v0  }
0xba: {  	[hbm4b:s25+s2] =	stream.linear.scatter [tilespmem:s9], [sflag:$0x2], $0x10, $0x38;
	[tilespmem:$0x4100] =	vst v63  }
0xbb: {  	_ =	swait.ge [sflag:s4], $0x10  }
0xbc: {  	[sflag:s4] =	ssyncset.done $0x0  }
0xbd: {  	s26 =	sand.u32 $0x70, s21;
	[sflag:s4] =	ssyncadd.s32 $0xFFFFFFF0  }
0xbe: {  	v0 =	vld [tilespmem:s26+$0x1280];
	_ =	sdelay $0x4  }
0xbf: {  	s28 =	rddreg [dreg:$0x6];
	[tilespmem:$0x4080] =	vst v0  }
0xc0: {  	[hbm4b:s28+s2] =	stream.linear.scatter [tilespmem:s9], [sflag:$0x2], $0x10, $0x38;
	[tilespmem:$0x4100] =	vst v63  }
0xc1: {  	_ =	swait.ge [sflag:s4], $0x10  }
0xc2: {  	[sflag:s4] =	ssyncset.done $0x0  }
0xc3: {  	s29 =	sand.u32 $0x70, s24;
	[sflag:s4] =	ssyncadd.s32 $0xFFFFFFF0  }
0xc4: {  	v0 =	vld [tilespmem:s29+$0x1700];
	_ =	sdelay $0x4  }
0xc5: {  	s30 =	rddreg [dreg:$0x7];
	[tilespmem:$0x4080] =	vst v0  }
0xc6: {  	[hbm4b:s30+s2] =	stream.linear.scatter [tilespmem:s9], [sflag:$0x2], $0x10, $0x38;
	[tilespmem:$0x4100] =	vst v63  }
0xc7: {  	_ =	swait.ge [sflag:s4], $0x10  }
0xc8: {  	[sflag:s4] =	ssyncset.done $0x0  }
0xc9: {  	s5 =	sand.u32 $0x70, s14;
	[sflag:s4] =	ssyncadd.s32 $0xFFFFFFF0  }
0xca: {  	v0 =	vld [tilespmem:s5+$0x1B80];
	_ =	sdelay $0x4  }
0xcb: {  	s13 =	rddreg [dreg:$0x8];
	[tilespmem:$0x4080] =	vst v0  }
0xcc: {  	[hbm4b:s13+s2] =	stream.linear.scatter [tilespmem:s9], [sflag:$0x2], $0x10, $0x38;
	[tilespmem:$0x4100] =	vst v63  }
0xcd: {  	_ =	swait.ge [sflag:s4], $0x10  }
0xce: {  	[sflag:s4] =	ssyncset.done $0x0  }
0xcf: {  	s14 =	sand.u32 $0x70, s17;
	[sflag:s4] =	ssyncadd.s32 $0xFFFFFFF0  }
0xd0: {  	v0 =	vld [tilespmem:s14+$0x2000];
	_ =	sdelay $0x4  }
0xd1: {  	s15 =	rddreg [dreg:$0x9];
	[tilespmem:$0x4080] =	vst v0  }
0xd2: {  	[hbm4b:s15+s2] =	stream.linear.scatter [tilespmem:s9], [sflag:$0x2], $0x10, $0x38;
	[tilespmem:$0x4100] =	vst v63  }
0xd3: {  	_ =	swait.ge [sflag:s4], $0x10  }
0xd4: {  	[sflag:s4] =	ssyncset.done $0x0  }
0xd5: {  	s1 =	sand.u32 $0x70, s1;
	[sflag:s4] =	ssyncadd.s32 $0xFFFFFFF0  }
0xd6: {  	v0 =	vld [tilespmem:s1+$0x2080];
	_ =	sdelay $0x4  }
0xd7: {  	s17 =	rddreg [dreg:$0xa];
	[tilespmem:$0x4080] =	vst v0  }
0xd8: {  	[hbm4b:s17+s2] =	stream.linear.scatter [tilespmem:s9], [sflag:$0x2], $0x10, $0x38;
	[tilespmem:$0x4100] =	vst v63  }
0xd9: {  	_ =	swait.ge [sflag:s4], $0x10  }
0xda: {  	[sflag:s4] =	ssyncset.done $0x0  }
0xdb: {  	s18 =	sand.u32 $0x70, s7;
	[sflag:s4] =	ssyncadd.s32 $0xFFFFFFF0  }
0xdc: {  	v0 =	vld [tilespmem:s18+$0x2500];
	_ =	sdelay $0x4  }
0xdd: {  	s19 =	rddreg [dreg:$0xb];
	[tilespmem:$0x4080] =	vst v0  }
0xde: {  	[hbm4b:s19+s2] =	stream.linear.scatter [tilespmem:s9], [sflag:$0x2], $0x10, $0x38;
	[tilespmem:$0x4100] =	vst v63  }
0xdf: {  	_ =	swait.ge [sflag:s4], $0x10  }
0xe0: {  	[sflag:s4] =	ssyncset.done $0x0  }
0xe1: {  	s21 =	sand.u32 $0x70, s16;
	[sflag:s4] =	ssyncadd.s32 $0xFFFFFFF0  }
0xe2: {  	v0 =	vld [tilespmem:s21+$0x2980];
	_ =	sdelay $0x4  }
0xe3: {  	s22 =	rddreg [dreg:$0xc];
	[tilespmem:$0x4080] =	vst v0  }
0xe4: {  	[hbm4b:s22+s2] =	stream.linear.scatter [tilespmem:s9], [sflag:$0x2], $0x10, $0x38;
	[tilespmem:$0x4100] =	vst v63  }
0xe5: {  	_ =	swait.ge [sflag:s4], $0x10  }
0xe6: {  	[sflag:s4] =	ssyncset.done $0x0  }
0xe7: {  	s24 =	sand.u32 $0x70, s23;
	[sflag:s4] =	ssyncadd.s32 $0xFFFFFFF0  }
0xe8: {  	v0 =	vld [tilespmem:s24+$0x2E00];
	_ =	sdelay $0x4  }
0xe9: {  	s25 =	rddreg [dreg:$0xd];
	[tilespmem:$0x4080] =	vst v0  }
0xea: {  	[hbm4b:s25+s2] =	stream.linear.scatter [tilespmem:s9], [sflag:$0x2], $0x10, $0x38;
	[tilespmem:$0x4100] =	vst v63  }
0xeb: {  	_ =	swait.ge [sflag:s4], $0x10  }
0xec: {  	[sflag:s4] =	ssyncset.done $0x0  }
0xed: {  	s0 =	sand.u32 $0x70, s0;
	[sflag:s4] =	ssyncadd.s32 $0xFFFFFFF0  }
0xee: {  	v0 =	vld [tilespmem:s0+$0x3280]  }
0xef: {  	s28 =	ssub.s32 $0x2, s10  }
0xf0: {  	s29 =	sshrl.u32 s28, $0x1  }
0xf1: {  	s0 =	ssub.s32 s28, s29  }
0xf2: {  	s0 =	smax.u32 s0, $0x1  }
0xf3: {  	s26 =	rddreg [dreg:$0xe];
	p0 =	sne.s32 s0, $0x1;
	[tilespmem:$0x4080] =	vst v0  }
0xf4: {  	[hbm4b:s26+s2] =	stream.linear.scatter [tilespmem:s9], [sflag:$0x2], $0x10, $0x38;
	[tilespmem:$0x4100] =	vst v63  }
.Ltmp1:
0xf5: {  	_ = 	snop;
	(pc) =	sbr.rel @!p0 .LBB2_4-.Ltmp1, $4  }
0xf6: {  	_ =	swait.ge [sflag:s4], $0x10  }
0xf7: {  	[sflag:s4] =	ssyncset.done $0x0  }
0xf8: {  	s30 =	sand.u32 $0x70, s20;
	[sflag:s4] =	ssyncadd.s32 $0xFFFFFFF0  }
0xf9: {  	s31 =	sadd.s32 $0xFFFFFFFF, s0;
	s0 =	rddreg [dreg:$0xf];
	v0 =	vld [tilespmem:s30+$0x3700]  }
0xfa: {  	s10 =	simm.s32 $0x4080  }
.LBB2_3:
0xfb: {  	_ =	sdelay $0x3  }
0xfc: {  	[tilespmem:$0x4080] =	vst v0  }
0xfd: {  	[hbm4b:s0+s2] =	stream.linear.scatter [tilespmem:s10], [sflag:$0x2], $0x10, $0x38;
	[tilespmem:$0x4100] =	vst v63  }
0xfe: {  	_ =	swait.ge [sflag:s4], $0x10  }
0xff: {  	[sflag:s4] =	ssyncset.done $0x0  }
0x100: {  	s5 =	sand.u32 $0x70, s12;
	[sflag:s4] =	ssyncadd.s32 $0xFFFFFFF0  }
0x101: {  	v0 =	vld [tilespmem:s5+$0x3B80];
	_ =	sdelay $0x4  }
0x102: {  	s7 =	rddreg [dreg:$0x10];
	[tilespmem:$0x4080] =	vst v0  }
0x103: {  	[hbm4b:s7+s2] =	stream.linear.scatter [tilespmem:s10], [sflag:$0x2], $0x10, $0x38;
	[tilespmem:$0x4100] =	vst v63  }
0x104: {  	_ =	swait.ge [sflag:s4], $0x10  }
0x105: {  	[sflag:s4] =	ssyncset.done $0x0  }
0x106: {  	s9 =	sand.u32 $0x70, s11;
	[sflag:s4] =	ssyncadd.s32 $0xFFFFFFF0  }
0x107: {  	v0 =	vld [tilespmem:s9+$0x4000];
	_ =	sdelay $0x4  }
0x108: {  	s11 =	rddreg [dreg:$0x11];
	[tilespmem:$0x4080] =	vst v0  }
0x109: {  	[hbm4b:s11+s2] =	stream.linear.scatter [tilespmem:s10], [sflag:$0x2], $0x10, $0x38;
	[tilespmem:$0x4100] =	vst v63  }
0x10a: {  	_ =	swait.ge [sflag:s4], $0x10  }
0x10b: {  	[sflag:s4] =	ssyncset.done $0x0  }
0x10c: {  	s12 =	rddreg [dreg:$0x12];
	[sflag:s4] =	ssyncadd.s32 $0xFFFFFFF0  }
0x10d: {  	[tilespmem:s2], [sflag:$0x2] =	stream.linear.gather [hbm4b:s12+s2], $0x10, $0x38;
	[tilespmem:$0x4100] =	vst v63  }
0x10e: {  	_ =	swait.ge [sflag:s4], $0x10  }
0x10f: {  	[sflag:s4] =	ssyncset.done $0x0  }
0x110: {  	[sflag:s4] =	ssyncadd.s32 $0xFFFFFFF0  }
0x111: {  	s12 =	rddreg [dreg:$0x17];
	v0 =	vld [tilespmem:$0x0]  }
0x112: {  	s14 =	rddreg [dreg:$0x16]  }
0x113: {  	s17 =	rddreg [dreg:$0x15]  }
0x114: {  	s18 =	rddreg [dreg:$0x14]  }
0x115: {  	s23 =	rddreg [dreg:$0x13]  }
0x116: {  	s13 =	sld [smem:$0x7FA];
	(v2sf) =	vpush v0, $0xC  }
0x117: {  	s15 =	sld [smem:$0x7F9];
	(v2sf) =	vpush v0, $0x1  }
0x118: {  	s16 =	rddreg [dreg:$0x1f];
	(v2sf) =	vpush v0, $0x2  }
0x119: {  	s19 =	rddreg [dreg:$0x1e]  }
0x11a: {  	s0 =	rddreg [dreg:$0x1d];
	(v2sf) =	vpush v0, $0x3  }
0x11b: {  	s11 =	rddreg [dreg:$0x1c]  }
0x11c: {  	s1 =	rddreg [dreg:$0x1b];
	(v2sf) =	vpush v0, $0x6  }
0x11d: {  	s3 =	rddreg [dreg:$0x1a];
	(v2sf) =	vpush v0, $0x0  }
0x11e: {  	s5 =	rddreg [dreg:$0x19];
	(v2sf) =	vpush v0, $0x4  }
0x11f: {  	s25 =	sld [smem:$0x7F8]  }
0x120: {  	s30 =	sld [smem:$0x7FB];
	(v2sf) =	vpush v0, $0x8  }
0x121: {  	[smem:$0x7F0] =	sst s16  }
0x122: {  	[smem:$0x7EF] =	sst s19  }
0x123: {  	[smem:$0x7F2] =	sst s13  }
0x124: {  	[smem:$0x7F1] =	sst s15  }
0x125: {  	s15 =	rddreg [dreg:$0x18];
	(v2sf) =	vpush v0, $0x7;
	s7 =	spop (v2sf)  }
0x126: {  	[smem:$0x7F7] =	sst s7;
	s20 =	spop (v2sf)  }
0x127: {  	s13 =	sshll.u32 s7, $0x3;
	[smem:$0x7F3] =	sst s20;
	s21 =	spop (v2sf)  }
0x128: {  	(v2sf) =	vpush v0, $0x5;
	s19 =	sshll.u32 s20, $0x3;
	s13 =	sand.u32 $0x7FFFFC00, s13;
	[smem:$0x7F4] =	sst s21  }
0x129: {  	s19 =	sand.u32 $0x7FFFFC00, s19;
	s20 =	sshll.u32 s21, $0x3;
	s9 =	spop (v2sf)  }
0x12a: {  	[smem:$0x7F5] =	sst s9;
	s21 =	sadd.s32 s25, s19;
	s20 =	sand.u32 $0x7FFFFC00, s20  }
0x12b: {  	s19 =	spop (v2sf);
	s9 =	sshll.u32 s9, $0x3;
	s16 =	sshrl.u32 s21, $0x3  }
0x12c: {  	s20 =	sadd.s32 s25, s20;
	s26 =	spop (v2sf);
	s9 =	sand.u32 $0x7FFFFC00, s9  }
0x12d: {  	(v2sf) =	vpush v0, $0x9;
	s22 =	sshll.u32 s26, $0x3;
	s20 =	sshrl.u32 s20, $0x3;
	s21 =	spop (v2sf)  }
0x12e: {  	s9 =	sadd.s32 s25, s9;
	s7 =	sand.u32 $0x7FFFFC00, s22;
	s22 =	sshll.u32 s21, $0x3  }
0x12f: {  	s28 =	spop (v2sf);
	s9 =	sshrl.u32 s9, $0x3;
	s7 =	sadd.s32 s25, s7  }
0x130: {  	s22 =	sand.u32 $0x7FFFFC00, s22;
	[smem:$0x7F6] =	sst s28;
	s28 =	sshll.u32 s28, $0x3  }
0x131: {  	(v2sf) =	vpush v0, $0xA;
	s9 =	sadd.s32 s6, s9;
	s7 =	sshrl.u32 s7, $0x3;
	s22 =	sadd.s32 s25, s22  }
0x132: {  	s29 =	sand.u32 $0x7FFFFC00, s28;
	s7 =	sadd.s32 s6, s7;
	s24 =	sshrl.u32 s22, $0x3  }
0x133: {  	(v2sf) =	vpush v0, $0xB;
	[tilespmem:s23], [sflag:$0x1] =	stream.linear.gather [hbm4b:s7+s2], $0x400, $0x38;
	[tilespmem:$0x4100] =	vst v63  }
0x134: {  	s22 =	spop (v2sf);
	s23 =	sadd.s32 s6, s16;
	s16 =	sshll.u32 s19, $0x3  }
0x135: {  	[tilespmem:s18], [sflag:$0x1] =	stream.linear.gather [hbm4b:s23+s2], $0x400, $0x38;
	[tilespmem:$0x4100] =	vst v63  }
0x136: {  	s24 =	sadd.s32 s6, s24;
	s16 =	sand.u32 $0x7FFFFC00, s16;
	s18 =	sadd.s32 s6, s20  }
0x137: {  	(v2sf) =	vpush v0, $0xD;
	s20 =	sadd.s32 s30, s29;
	s23 =	spop (v2sf);
	s16 =	sadd.s32 s25, s16  }
0x138: {  	[tilespmem:s17], [sflag:$0x1] =	stream.linear.gather [hbm4b:s18+s2], $0x400, $0x38;
	[tilespmem:$0x4100] =	vst v63  }
0x139: {  	s28 =	sshll.u32 s23, $0x3;
	s20 =	sshrl.u32 s20, $0x3;
	s16 =	sshrl.u32 s16, $0x3  }
0x13a: {  	[tilespmem:s14], [sflag:$0x1] =	stream.linear.gather [hbm4b:s9+s2], $0x400, $0x38;
	[tilespmem:$0x4100] =	vst v63  }
0x13b: {  	s7 =	sand.u32 $0x7FFFFC00, s28;
	s16 =	sadd.s32 s6, s16;
	s14 =	sshll.u32 s22, $0x3  }
0x13c: {  	s7 =	sadd.s32 s25, s7;
	s18 =	spop (v2sf);
	s9 =	sand.u32 $0x7FFFFC00, s14  }
0x13d: {  	s7 =	sshrl.u32 s7, $0x3;
	s29 =	sshll.u32 s18, $0x3;
	s9 =	sadd.s32 s25, s9  }
0x13e: {  	[tilespmem:s12], [sflag:$0x1] =	stream.linear.gather [hbm4b:s24+s2], $0x400, $0x38;
	[tilespmem:$0x4100] =	vst v63  }
0x13f: {  	(v2sf) =	vpush v0, $0xE;
	s7 =	sadd.s32 s6, s7;
	s17 =	sand.u32 $0x7FFFFC00, s29;
	s9 =	sshrl.u32 s9, $0x3  }
0x140: {  	s28 =	sadd.s32 s30, s17;
	s17 =	spop (v2sf);
	s9 =	sadd.s32 s6, s9  }
0x141: {  	[tilespmem:s15], [sflag:$0x1] =	stream.linear.gather [hbm4b:s7+s2], $0x400, $0x38;
	[tilespmem:$0x4100] =	vst v63  }
0x142: {  	s28 =	sshrl.u32 s28, $0x3;
	s29 =	sshll.u32 s17, $0x3;
	s14 =	spop (v2sf)  }
0x143: {  	(v2sf) =	vpush v0, $0xF;
	[tilespmem:s5], [sflag:$0x1] =	stream.linear.gather [hbm4b:s16+s2], $0x400, $0x38;
	[tilespmem:$0x4100] =	vst v63  }
0x144: {  	s29 =	sand.u32 $0x7FFFFC00, s29;
	s16 =	sadd.s32 s30, s13;
	s13 =	sadd.s32 s6, s28  }
0x145: {  	s25 =	sadd.s32 s30, s29;
	s29 =	sshll.u32 s14, $0x3;
	s7 =	sshrl.u32 s16, $0x3  }
0x146: {  	s25 =	sshrl.u32 s25, $0x3;
	s29 =	sand.u32 $0x7FFFFC00, s29;
	s24 =	spop (v2sf)  }
0x147: {  	[tilespmem:s3], [sflag:$0x1] =	stream.linear.gather [hbm4b:s9+s2], $0x400, $0x38;
	[tilespmem:$0x4100] =	vst v63  }
0x148: {  	s9 =	sadd.s32 s6, s20;
	s12 =	sadd.s32 s30, s29;
	s29 =	sshll.u32 s24, $0x3  }
0x149: {  	[tilespmem:s1], [sflag:$0x1] =	stream.linear.gather [hbm4b:s9+s2], $0x400, $0x38;
	[tilespmem:$0x4100] =	vst v63  }
0x14a: {  	s15 =	sadd.s32 s6, s25;
	s5 =	sshrl.u32 s12, $0x3;
	s29 =	sand.u32 $0x7FFFFC00, s29  }
0x14b: {  	[tilespmem:s11], [sflag:$0x1] =	stream.linear.gather [hbm4b:s13+s2], $0x400, $0x38;
	[tilespmem:$0x4100] =	vst v63  }
0x14c: {  	s12 =	sadd.s32 s30, s29;
	s20 =	sadd.s32 s6, s5;
	s29 =	sld [smem:$0x7EF]  }
0x14d: {  	[tilespmem:s0], [sflag:$0x1] =	stream.linear.gather [hbm4b:s15+s2], $0x400, $0x38;
	[tilespmem:$0x4100] =	vst v63  }
0x14e: {  	s3 =	sshrl.u32 s12, $0x3;
	s15 =	sld [smem:$0x7F0];
	s12 =	spop (v2sf)  }
0x14f: {  	[tilespmem:s29], [sflag:$0x1] =	stream.linear.gather [hbm4b:s20+s2], $0x400, $0x38;
	[tilespmem:$0x4100] =	vst v63  }
0x150: {  	s13 =	sadd.s32 s6, s7;
	s16 =	sshll.u32 s12, $0x3  }
0x151: {  	[tilespmem:s15], [sflag:$0x1] =	stream.linear.gather [hbm4b:s13+s2], $0x400, $0x38;
	[tilespmem:$0x4100] =	vst v63  }
0x152: {  	s25 =	sand.u32 $0x7FFFFC00, s16;
	s11 =	spop (v2sf)  }
0x153: {  	s1 =	sadd.s32 s30, s25;
	s25 =	sld [smem:$0x7F1];
	s28 =	sshll.u32 s11, $0x3  }
0x154: {  	s7 =	sld [smem:$0x7F2];
	s5 =	sand.u32 $0x7FFFFC00, s28  }
0x155: {  	s16 =	sadd.s32 s6, s3;
	s1 =	sshrl.u32 s1, $0x3;
	s20 =	sadd.s32 s30, s5  }
0x156: {  	[tilespmem:s25], [sflag:$0x1] =	stream.linear.gather [hbm4b:s16+s2], $0x400, $0x38;
	[tilespmem:$0x4100] =	vst v63  }
0x157: {  	s28 =	sadd.s32 s6, s1;
	s30 =	sld [smem:$0x7FC];
	s29 =	sshrl.u32 s20, $0x3  }
0x158: {  	[tilespmem:s7], [sflag:$0x1] =	stream.linear.gather [hbm4b:s28+s2], $0x400, $0x38;
	[tilespmem:$0x4100] =	vst v63  }
0x159: {  	s9 =	sadd.s32 s6, s29  }
0x15a: {  	[tilespmem:s30], [sflag:$0x1] =	stream.linear.gather [hbm4b:s9+s2], $0x400, $0x38;
	[tilespmem:$0x4100] =	vst v63  }
0x15b: {  	_ =	swait.ge [sflag:s8], $0x400  }
0x15c: {  	[sflag:s8] =	ssyncset.done $0x0  }
0x15d: {  	[sflag:s8] =	ssyncadd.s32 $0xFFFFFC00  }
0x15e: {  	_ =	swait.ge [sflag:s8], $0x400  }
0x15f: {  	[sflag:s8] =	ssyncset.done $0x0  }
0x160: {  	[sflag:s8] =	ssyncadd.s32 $0xFFFFFC00  }
0x161: {  	_ =	swait.ge [sflag:s8], $0x400  }
0x162: {  	[sflag:s8] =	ssyncset.done $0x0  }
0x163: {  	[sflag:s8] =	ssyncadd.s32 $0xFFFFFC00  }
0x164: {  	_ =	swait.ge [sflag:s8], $0x400  }
0x165: {  	[sflag:s8] =	ssyncset.done $0x0  }
0x166: {  	[sflag:s8] =	ssyncadd.s32 $0xFFFFFC00  }
0x167: {  	_ =	swait.ge [sflag:s8], $0x400  }
0x168: {  	[sflag:s8] =	ssyncset.done $0x0  }
0x169: {  	[sflag:s8] =	ssyncadd.s32 $0xFFFFFC00  }
0x16a: {  	_ =	swait.ge [sflag:s8], $0x400  }
0x16b: {  	[sflag:s8] =	ssyncset.done $0x0  }
0x16c: {  	[sflag:s8] =	ssyncadd.s32 $0xFFFFFC00  }
0x16d: {  	_ =	swait.ge [sflag:s8], $0x400  }
0x16e: {  	[sflag:s8] =	ssyncset.done $0x0  }
0x16f: {  	[sflag:s8] =	ssyncadd.s32 $0xFFFFFC00  }
0x170: {  	_ =	swait.ge [sflag:s8], $0x400  }
0x171: {  	[sflag:s8] =	ssyncset.done $0x0  }
0x172: {  	[sflag:s8] =	ssyncadd.s32 $0xFFFFFC00  }
0x173: {  	_ =	swait.ge [sflag:s8], $0x400  }
0x174: {  	[sflag:s8] =	ssyncset.done $0x0  }
0x175: {  	[sflag:s8] =	ssyncadd.s32 $0xFFFFFC00  }
0x176: {  	_ =	swait.ge [sflag:s8], $0x400  }
0x177: {  	[sflag:s8] =	ssyncset.done $0x0  }
0x178: {  	[sflag:s8] =	ssyncadd.s32 $0xFFFFFC00  }
0x179: {  	_ =	swait.ge [sflag:s8], $0x400  }
0x17a: {  	[sflag:s8] =	ssyncset.done $0x0  }
0x17b: {  	[sflag:s8] =	ssyncadd.s32 $0xFFFFFC00  }
0x17c: {  	_ =	swait.ge [sflag:s8], $0x400  }
0x17d: {  	[sflag:s8] =	ssyncset.done $0x0  }
0x17e: {  	[sflag:s8] =	ssyncadd.s32 $0xFFFFFC00  }
0x17f: {  	_ =	swait.ge [sflag:s8], $0x400  }
0x180: {  	[sflag:s8] =	ssyncset.done $0x0  }
0x181: {  	[sflag:s8] =	ssyncadd.s32 $0xFFFFFC00  }
0x182: {  	_ =	swait.ge [sflag:s8], $0x400  }
0x183: {  	[sflag:s8] =	ssyncset.done $0x0  }
0x184: {  	[sflag:s8] =	ssyncadd.s32 $0xFFFFFC00  }
0x185: {  	_ =	swait.ge [sflag:s8], $0x400  }
0x186: {  	[sflag:s8] =	ssyncset.done $0x0  }
0x187: {  	[sflag:s8] =	ssyncadd.s32 $0xFFFFFC00  }
0x188: {  	_ =	swait.ge [sflag:s8], $0x400  }
0x189: {  	[sflag:s8] =	ssyncset.done $0x0  }
0x18a: {  	s13 =	sand.u32 $0x70, s26;
	[sflag:s8] =	ssyncadd.s32 $0xFFFFFC00  }
0x18b: {  	v0 =	vld [tilespmem:s13+$0x80];
	_ =	sdelay $0x2  }
0x18c: {  	s15 =	sld [smem:$0x7FD];
	_ =	sdelay $0x1  }
0x18d: {  	[tilespmem:$0x4080] =	vst v0  }
0x18e: {  	[hbm4b:s15+s2] =	stream.linear.scatter [tilespmem:s10], [sflag:$0x2], $0x10, $0x38;
	[tilespmem:$0x4100] =	vst v63  }
0x18f: {  	_ =	swait.ge [sflag:s4], $0x10  }
0x190: {  	s16 =	sld [smem:$0x7F3];
	_ =	sdelay $0x1  }
0x191: {  	[sflag:s4] =	ssyncset.done $0x0  }
0x192: {  	[sflag:s4] =	ssyncadd.s32 $0xFFFFFFF0;
	s0 =	sand.u32 $0x70, s16  }
0x193: {  	v0 =	vld [tilespmem:s0+$0x500];
	_ =	sdelay $0x4  }
0x194: {  	s20 =	rddreg [dreg:$0x3];
	[tilespmem:$0x4080] =	vst v0  }
0x195: {  	[hbm4b:s20+s2] =	stream.linear.scatter [tilespmem:s10], [sflag:$0x2], $0x10, $0x38;
	[tilespmem:$0x4100] =	vst v63  }
0x196: {  	_ =	swait.ge [sflag:s4], $0x10  }
0x197: {  	s25 =	sld [smem:$0x7F4];
	_ =	sdelay $0x1  }
0x198: {  	[sflag:s4] =	ssyncset.done $0x0  }
0x199: {  	[sflag:s4] =	ssyncadd.s32 $0xFFFFFFF0;
	s0 =	sand.u32 $0x70, s25  }
0x19a: {  	v0 =	vld [tilespmem:s0+$0x980];
	_ =	sdelay $0x4  }
0x19b: {  	s26 =	rddreg [dreg:$0x4];
	[tilespmem:$0x4080] =	vst v0  }
0x19c: {  	[hbm4b:s26+s2] =	stream.linear.scatter [tilespmem:s10], [sflag:$0x2], $0x10, $0x38;
	[tilespmem:$0x4100] =	vst v63  }
0x19d: {  	_ =	swait.ge [sflag:s4], $0x10  }
0x19e: {  	s28 =	sld [smem:$0x7F5];
	_ =	sdelay $0x1  }
0x19f: {  	[sflag:s4] =	ssyncset.done $0x0  }
0x1a0: {  	[sflag:s4] =	ssyncadd.s32 $0xFFFFFFF0;
	s0 =	sand.u32 $0x70, s28  }
0x1a1: {  	v0 =	vld [tilespmem:s0+$0xE00];
	_ =	sdelay $0x4  }
0x1a2: {  	s29 =	rddreg [dreg:$0x5];
	[tilespmem:$0x4080] =	vst v0  }
0x1a3: {  	[hbm4b:s29+s2] =	stream.linear.scatter [tilespmem:s10], [sflag:$0x2], $0x10, $0x38;
	[tilespmem:$0x4100] =	vst v63  }
0x1a4: {  	_ =	swait.ge [sflag:s4], $0x10  }
0x1a5: {  	[sflag:s4] =	ssyncset.done $0x0  }
0x1a6: {  	s30 =	sand.u32 $0x70, s21;
	[sflag:s4] =	ssyncadd.s32 $0xFFFFFFF0  }
0x1a7: {  	v0 =	vld [tilespmem:s30+$0x1280];
	_ =	sdelay $0x4  }
0x1a8: {  	s1 =	rddreg [dreg:$0x6];
	[tilespmem:$0x4080] =	vst v0  }
0x1a9: {  	[hbm4b:s1+s2] =	stream.linear.scatter [tilespmem:s10], [sflag:$0x2], $0x10, $0x38;
	[tilespmem:$0x4100] =	vst v63  }
0x1aa: {  	_ =	swait.ge [sflag:s4], $0x10  }
0x1ab: {  	[sflag:s4] =	ssyncset.done $0x0  }
0x1ac: {  	s3 =	sand.u32 $0x70, s23;
	[sflag:s4] =	ssyncadd.s32 $0xFFFFFFF0  }
0x1ad: {  	v0 =	vld [tilespmem:s3+$0x1700];
	_ =	sdelay $0x4  }
0x1ae: {  	s5 =	rddreg [dreg:$0x7];
	[tilespmem:$0x4080] =	vst v0  }
0x1af: {  	[hbm4b:s5+s2] =	stream.linear.scatter [tilespmem:s10], [sflag:$0x2], $0x10, $0x38;
	[tilespmem:$0x4100] =	vst v63  }
0x1b0: {  	_ =	swait.ge [sflag:s4], $0x10  }
0x1b1: {  	[sflag:s4] =	ssyncset.done $0x0  }
0x1b2: {  	s7 =	sand.u32 $0x70, s19;
	[sflag:s4] =	ssyncadd.s32 $0xFFFFFFF0  }
0x1b3: {  	v0 =	vld [tilespmem:s7+$0x1B80];
	_ =	sdelay $0x4  }
0x1b4: {  	s9 =	rddreg [dreg:$0x8];
	[tilespmem:$0x4080] =	vst v0  }
0x1b5: {  	[hbm4b:s9+s2] =	stream.linear.scatter [tilespmem:s10], [sflag:$0x2], $0x10, $0x38;
	[tilespmem:$0x4100] =	vst v63  }
0x1b6: {  	_ =	swait.ge [sflag:s4], $0x10  }
0x1b7: {  	[sflag:s4] =	ssyncset.done $0x0  }
0x1b8: {  	s13 =	sand.u32 $0x70, s22;
	[sflag:s4] =	ssyncadd.s32 $0xFFFFFFF0  }
0x1b9: {  	v0 =	vld [tilespmem:s13+$0x2000];
	_ =	sdelay $0x4  }
0x1ba: {  	s15 =	rddreg [dreg:$0x9];
	[tilespmem:$0x4080] =	vst v0  }
0x1bb: {  	[hbm4b:s15+s2] =	stream.linear.scatter [tilespmem:s10], [sflag:$0x2], $0x10, $0x38;
	[tilespmem:$0x4100] =	vst v63  }
0x1bc: {  	_ =	swait.ge [sflag:s4], $0x10  }
0x1bd: {  	s16 =	sld [smem:$0x7F6];
	_ =	sdelay $0x1  }
0x1be: {  	[sflag:s4] =	ssyncset.done $0x0  }
0x1bf: {  	[sflag:s4] =	ssyncadd.s32 $0xFFFFFFF0;
	s0 =	sand.u32 $0x70, s16  }
0x1c0: {  	v0 =	vld [tilespmem:s0+$0x2080];
	_ =	sdelay $0x4  }
0x1c1: {  	s19 =	rddreg [dreg:$0xa];
	[tilespmem:$0x4080] =	vst v0  }
0x1c2: {  	[hbm4b:s19+s2] =	stream.linear.scatter [tilespmem:s10], [sflag:$0x2], $0x10, $0x38;
	[tilespmem:$0x4100] =	vst v63  }
0x1c3: {  	_ =	swait.ge [sflag:s4], $0x10  }
0x1c4: {  	[sflag:s4] =	ssyncset.done $0x0  }
0x1c5: {  	s20 =	sand.u32 $0x70, s18;
	[sflag:s4] =	ssyncadd.s32 $0xFFFFFFF0  }
0x1c6: {  	v0 =	vld [tilespmem:s20+$0x2500];
	_ =	sdelay $0x4  }
0x1c7: {  	s21 =	rddreg [dreg:$0xb];
	[tilespmem:$0x4080] =	vst v0  }
0x1c8: {  	[hbm4b:s21+s2] =	stream.linear.scatter [tilespmem:s10], [sflag:$0x2], $0x10, $0x38;
	[tilespmem:$0x4100] =	vst v63  }
0x1c9: {  	_ =	swait.ge [sflag:s4], $0x10  }
0x1ca: {  	[sflag:s4] =	ssyncset.done $0x0  }
0x1cb: {  	s22 =	sand.u32 $0x70, s17;
	[sflag:s4] =	ssyncadd.s32 $0xFFFFFFF0  }
0x1cc: {  	v0 =	vld [tilespmem:s22+$0x2980];
	_ =	sdelay $0x4  }
0x1cd: {  	s23 =	rddreg [dreg:$0xc];
	[tilespmem:$0x4080] =	vst v0  }
0x1ce: {  	[hbm4b:s23+s2] =	stream.linear.scatter [tilespmem:s10], [sflag:$0x2], $0x10, $0x38;
	[tilespmem:$0x4100] =	vst v63  }
0x1cf: {  	_ =	swait.ge [sflag:s4], $0x10  }
0x1d0: {  	[sflag:s4] =	ssyncset.done $0x0  }
0x1d1: {  	s25 =	sand.u32 $0x70, s14;
	[sflag:s4] =	ssyncadd.s32 $0xFFFFFFF0  }
0x1d2: {  	v0 =	vld [tilespmem:s25+$0x2E00];
	_ =	sdelay $0x4  }
0x1d3: {  	s26 =	rddreg [dreg:$0xd];
	[tilespmem:$0x4080] =	vst v0  }
0x1d4: {  	[hbm4b:s26+s2] =	stream.linear.scatter [tilespmem:s10], [sflag:$0x2], $0x10, $0x38;
	[tilespmem:$0x4100] =	vst v63  }
0x1d5: {  	_ =	swait.ge [sflag:s4], $0x10  }
0x1d6: {  	s28 =	sld [smem:$0x7F7];
	_ =	sdelay $0x1  }
0x1d7: {  	[sflag:s4] =	ssyncset.done $0x0  }
0x1d8: {  	[sflag:s4] =	ssyncadd.s32 $0xFFFFFFF0;
	s0 =	sand.u32 $0x70, s28  }
0x1d9: {  	v0 =	vld [tilespmem:s0+$0x3280];
	_ =	sdelay $0x4  }
0x1da: {  	p0 =	sne.s32 s31, $0x1;
	s29 =	rddreg [dreg:$0xe];
	[tilespmem:$0x4080] =	vst v0  }
0x1db: {  	[hbm4b:s29+s2] =	stream.linear.scatter [tilespmem:s10], [sflag:$0x2], $0x10, $0x38;
	[tilespmem:$0x4100] =	vst v63  }
.Ltmp2:
0x1dc: {  	_ = 	snop;
	(pc) =	sbr.rel @p0 .LBB2_3-.Ltmp2, $4  }
0x1dd: {  	_ =	swait.ge [sflag:s4], $0x10  }
0x1de: {  	[sflag:s4] =	ssyncset.done $0x0  }
0x1df: {  	s30 =	sand.u32 $0x70, s24;
	[sflag:s4] =	ssyncadd.s32 $0xFFFFFFF0  }
0x1e0: {  	s31 =	sadd.s32 $0xFFFFFFFF, s31;
	s0 =	rddreg [dreg:$0xf];
	v0 =	vld [tilespmem:s30+$0x3700]  }
.LBB2_4:
0x1e1: {  	_ =	sdelay $0x3  }
0x1e2: {  	s1 =	simm.s32 $0x4080;
	[tilespmem:$0x4080] =	vst v0  }
0x1e3: {  	[hbm4b:s0+s2] =	stream.linear.scatter [tilespmem:s1], [sflag:$0x2], $0x10, $0x38;
	[tilespmem:$0x4100] =	vst v63  }
0x1e4: {  	_ =	swait.ge [sflag:s4], $0x10  }
0x1e5: {  	[sflag:s4] =	ssyncset.done $0x0  }
0x1e6: {  	s28 =	sand.u32 $0x70, s12;
	[sflag:s4] =	ssyncadd.s32 $0xFFFFFFF0  }
0x1e7: {  	v62 =	vld [tilespmem:s28+$0x3B80];
	_ =	sdelay $0x4  }
0x1e8: {  	s29 =	rddreg [dreg:$0x10];
	[tilespmem:$0x4080] =	vst v62  }
0x1e9: {  	[hbm4b:s29+s2] =	stream.linear.scatter [tilespmem:s1], [sflag:$0x2], $0x10, $0x38;
	[tilespmem:$0x4100] =	vst v63  }
0x1ea: {  	_ =	swait.ge [sflag:s4], $0x10  }
0x1eb: {  	[sflag:s4] =	ssyncset.done $0x0  }
0x1ec: {  	s30 =	sand.u32 $0x70, s11;
	[sflag:s4] =	ssyncadd.s32 $0xFFFFFFF0  }
0x1ed: {  	v63 =	vld [tilespmem:s30+$0x4000];
	_ =	sdelay $0x4  }
0x1ee: {  	s31 =	rddreg [dreg:$0x11];
	[tilespmem:$0x4080] =	vst v63  }
0x1ef: {  	[hbm4b:s31+s2] =	stream.linear.scatter [tilespmem:s1], [sflag:$0x2], $0x10, $0x38;
	[tilespmem:$0x4100] =	vst v63  }
0x1f0: {  	_ =	swait.ge [sflag:s4], $0x10  }
0x1f1: {  	[sflag:s4] =	ssyncset.done $0x0  }
0x1f2: {  	[sflag:s4] =	ssyncadd.s32 $0xFFFFFFF0  }
0x1f3: {  	s4 =	stileid.u32;
	s0 =	rddreg [dreg:$0x2]  }
.LBB2_5:
0x1f4: {  	_ =	sfence.sel $0x180000  }
0x1f5: {  	[bflag:$0x0] =	sbarrier.arrive $0xFFFF  }
0x1f6: {  	p0 =	sne.s32 s4, $0x0;
	_ =	strace $0x90000047  }
0x1f7: {  	s0 =	sadd.s32 @!p0 $0x100000, s0;
	[bflag:$0x2] =	sbarrier.arrive $0xFFFF  }
0x1f8: {  	[sflag:s0] =	ssyncadd.tile.s32 @!p0 $0x1;
	_ =	shalt  }
.Lfunc_end2:
_tile_overlayer_lowered:
.L_overlay_start_2:
0x1f9: {  	(tag) =	ssettag $0x2  }
0x1fa: {  	s0 =	rddreg [dreg:$0x0];
	s2 =	stileid.u32  }
0x1fb: {  	s1 =	rddreg [dreg:$0x1];
	p0 =	sne.s32 s2, $0x0  }
0x1fc: {  	s3 =	rddreg [dreg:$0x2];
	[bflag:$0x3] =	sbarrier.arrive $0xFFFF;
	s2 =	simm.s32 @!p0 $0x1C02  }
0x1fd: {  	[timem:s3], [sflag:s2] =	dma.local @!p0 [hbm:s0], s1  }
0x1fe: {  	s0 =	simm.s32 @!p0 $0x2  }
0x1ff: {  	_ =	swait.ge @!p0 [sflag:s0], s1  }
0x200: {  	s1 =	ssub.s32 @!p0 $0x0, s1;
	[sflag:s0] =	ssyncset.done @!p0 $0x0  }
0x201: {  	[sflag:s0] =	ssyncadd.s32 @!p0 s1  }
0x202: {  	[bflag:$0x3] =	sbarrier.arrive $0xFFFF  }
0x203: {  	_ =	shalt  }

</sc_bundles>
